<compile_context>
chip_gen: v7x
topology: tpu7x:2x2x1
jax: 0.10.2.dev20260603
libtpu: 0.0.44.dev20260713+nightly
codegen_flags: <defaults>
</compile_context>

<pallas_src>
import functools

import jax
import jax.numpy as jnp
from jax import lax
from jax.experimental import pallas as pl
from jax.experimental.pallas import tpu as pltpu
from jax.experimental.pallas import tpu_sc as plsc

B = 4
P = 32
NPG = 200
EPG = 3200
EMB = 128
DG = 128
NN2 = NPG * NPG
NPAD = 256
LANES = 16
GROUPS = EPG // LANES


def _sc_adjacency(base_edges):
    mesh = plsc.VectorSubcoreMesh(core_axis_name="c", subcore_axis_name="s")

    UNROLL = 4

    @functools.partial(
        pl.kernel,
        out_type=jax.ShapeDtypeStruct((P, NPG, NPAD), jnp.float32),
        mesh=mesh,
        compiler_params=pltpu.CompilerParams(needs_layout_passes=False),
        scratch_types=[
            pltpu.VMEM((2, EPG), jnp.int32),
            pltpu.VMEM((NPG, NPAD), jnp.float32),
            pltpu.VMEM((UNROLL, LANES), jnp.int32),
            pltpu.SemaphoreType.DMA,
        ],
    )
    def build(edges_hbm, a_hbm, e_v, a_v, s_v, sem):
        wid = lax.axis_index("s") * 2 + lax.axis_index("c")

        edma = pltpu.async_copy(edges_hbm.at[wid], e_v, sem)

        zeros16 = jnp.zeros((LANES,), jnp.float32)

        def zero_body(r, carry):
            for j in range(NPAD // LANES):
                a_v[r, pl.ds(j * LANES, LANES)] = zeros16
            return carry

        lax.fori_loop(0, NPG, zero_body, 0)

        edma.wait()

        lane = lax.iota(jnp.int32, LANES)
        is_top = lane == (LANES - 1)
        is_bot = lane == 0
        up_idx = jnp.minimum(lane + 1, LANES - 1)
        dn_idx = jnp.maximum(lane - 1, 0)

        def edge_body(i, carry):
            for j in range(UNROLL):
                src = e_v[0, pl.ds((i * UNROLL + j) * LANES, LANES)]
                dst = e_v[1, pl.ds((i * UNROLL + j) * LANES, LANES)]
                k = (dst << 8) | src
                ks, _ = plsc.sort_key_val(k, k)
                s_v[j, :] = ks
                up = plsc.load_gather(s_v.at[j], [up_idx])
                dn = plsc.load_gather(s_v.at[j], [dn_idx])
                last = (ks != up) | is_top
                first = (ks != dn) | is_bot
                start = plsc.cummax(jnp.where(first, lane, 0))
                runlen = (lane - start + 1).astype(jnp.float32)
                plsc.addupdate_scatter(
                    a_v, [ks >> 8, ks & (NPAD - 1)], runlen, mask=last)
            return carry

        lax.fori_loop(0, GROUPS // UNROLL, edge_body, 0)

        pltpu.sync_copy(a_v, a_hbm.at[wid])

    return build(base_edges)


def _tc_gnn(x, adj, W1_l, b1, W1_r, W2_l, b2, W2_r):

    def mm(a, b):
        return jnp.dot(a.astype(jnp.bfloat16), b.astype(jnp.bfloat16),
                       preferred_element_type=jnp.float32)

    PPS = 4

    def body(x_ref, a_ref, w1_ref, b1_ref, w2_ref, b2_ref, out_ref):
        zpad = jnp.zeros((NPAD - NPG, DG), jnp.float32)
        w1 = w1_ref[...]
        w2 = w2_ref[...]
        bias1 = b1_ref[...]
        bias2 = b2_ref[...]
        selr = lax.broadcasted_iota(jnp.int32, (B, B * NPG), 0)
        selc = lax.broadcasted_iota(jnp.int32, (B, B * NPG), 1)
        sel = jnp.where(selc // NPG == selr, 1.0, 0.0)

        for t in range(PPS):
            amat = a_ref[t]
            cnt = jnp.sum(amat, axis=1, keepdims=True)
            dinv = 1.0 / jnp.maximum(cnt, 1.0)

            def aggmm(u, amat=amat, dinv=dinv):
                outs = []
                for b in range(B):
                    ub = jnp.concatenate(
                        [u[b * NPG:(b + 1) * NPG], zpad], axis=0)
                    outs.append(mm(amat, ub) * dinv)
                return jnp.concatenate(outs, axis=0)

            x2 = x_ref[:, t].reshape(B * NPG, EMB)
            uv1 = mm(x2, w1)
            u1 = uv1[:, :DG]
            v1 = uv1[:, DG:] + bias1
            h1 = aggmm(u1) + v1
            g = jax.nn.gelu(h1)
            uv2 = mm(g, w2)
            u2 = uv2[:, :DG]
            v2 = uv2[:, DG:] + bias2
            h2 = aggmm(u2) + v2
            out_ref[t] = mm(sel, h2) * (1.0 / NPG)

    w1c = jnp.concatenate([W1_l, W1_r], axis=1)
    w2c = jnp.concatenate([W2_l, W2_r], axis=1)
    return pl.pallas_call(
        body,
        grid=(P // PPS,),
        in_specs=[
            pl.BlockSpec((B, PPS, NPG, EMB), lambda p: (0, p, 0, 0)),
            pl.BlockSpec((PPS, NPG, NPAD), lambda p: (p, 0, 0)),
            pl.BlockSpec((EMB, 2 * DG), lambda p: (0, 0)),
            pl.BlockSpec((1, DG), lambda p: (0, 0)),
            pl.BlockSpec((DG, 2 * DG), lambda p: (0, 0)),
            pl.BlockSpec((1, DG), lambda p: (0, 0)),
        ],
        out_specs=pl.BlockSpec((PPS, B, DG), lambda p: (p, 0, 0)),
        out_shape=jax.ShapeDtypeStruct((P, B, DG), jnp.float32),
    )(x, adj, w1c, b1.reshape(1, DG), w2c, b2.reshape(1, DG))


def kernel(gene2sub_out, base_edges, W1_l, b1, W1_r, W2_l, b2, W2_r):
    adj = _sc_adjacency(base_edges)
    out = _tc_gnn(gene2sub_out, adj, W1_l, b1, W1_r, W2_l, b2, W2_r)
    return out.reshape(B, P, DG)

# --- scband reference (transcript-rebuilt; emitter-appended) ---
"""Pipeline reference for scband-pathway-graph-embedding-42047729828322 (READ-ONLY COPY).

The authoritative reference and input builder live on the scoring server;
editing this copy changes nothing except your own understanding.
"""

import jax, jax.numpy as jnp
import numpy as np

B = 4
P = 32
NPG = 200
EPG = 3200
EMB = 128
DG = 128
NT = P * B * NPG
ET = P * B * EPG


def setup_inputs(seed: int = 0) -> dict:
    key = jax.random.key(seed)
    ks = jax.random.split(key, 8)
    gene2sub_out = jax.random.normal(ks[0], (B, P, NPG, EMB), dtype=jnp.float32)
    base_edges = jax.random.randint(ks[1], (P, 2, EPG), 0, NPG, dtype=jnp.int32)
    s1 = 1.0 / np.sqrt(EMB)
    s2 = 1.0 / np.sqrt(DG)
    W1_l = jax.random.normal(ks[2], (EMB, DG), dtype=jnp.float32) * s1
    W1_r = jax.random.normal(ks[3], (EMB, DG), dtype=jnp.float32) * s1
    b1 = jnp.zeros((DG,), dtype=jnp.float32)
    W2_l = jax.random.normal(ks[4], (DG, DG), dtype=jnp.float32) * s2
    W2_r = jax.random.normal(ks[5], (DG, DG), dtype=jnp.float32) * s2
    b2 = jnp.zeros((DG,), dtype=jnp.float32)
    return {"gene2sub_out": gene2sub_out, "base_edges": base_edges, "W1_l": W1_l, "b1": b1, "W1_r": W1_r, "W2_l": W2_l, "b2": b2, "W2_r": W2_r}


def _build_edges(base_edges):
    # Data list order: for each pathway i, for each b in range(B) -> block index i*B + b
    offsets = jnp.arange(P * B, dtype=jnp.int32) * NPG
    be = jnp.repeat(base_edges, B, axis=0)  # [P*B, 2, EPG]
    ei = be + offsets[:, None, None]
    ei = jnp.transpose(ei, (1, 0, 2)).reshape(2, ET)
    return ei[0], ei[1]


def reference(gene2sub_out, base_edges, W1_l, b1, W1_r, W2_l, b2, W2_r):
    # overwrite batched_graph.x with gene embeddings (pathway-major, batch-minor block order)
    x = jnp.transpose(gene2sub_out, (1, 0, 2, 3)).reshape(NT, EMB)
    row, col = _build_edges(base_edges)
    ones = jnp.ones((ET,), dtype=jnp.float32)
    # get_laplacian(normalization='sym'): L = I - D^{-1/2} A D^{-1/2}
    deg = jax.ops.segment_sum(ones, row, num_segments=NT)
    dinv = jnp.where(deg > 0, jax.lax.rsqrt(jnp.maximum(deg, 1e-12)), 0.0)
    w = -dinv[row] * dinv[col]
    # spmm(L, x): self-loop part (I*x) plus scatter-add of normalized-negated messages
    lap_x = x + jax.ops.segment_sum(w[:, None] * x[col], row, num_segments=NT)
    x_combined = jnp.concatenate([x, lap_x], axis=-1)  # computed but result of its conv is discarded in original forward
    _ = x_combined

    def sage(h, Wl, b, Wr):
        # PyG SAGEConv (mean aggr): out = lin_l(mean_{j->i} h_j) + lin_r(h_i)
        agg = jax.ops.segment_sum(h[row], col, num_segments=NT)
        cnt = jax.ops.segment_sum(ones, col, num_segments=NT)
        agg = agg / jnp.maximum(cnt, 1.0)[:, None]
        return agg @ Wl + b + h @ Wr

    h = sage(x, W1_l, b1, W1_r)  # the surviving conv1 call: conv1(batched_graph.x, edge_index)
    h = jax.nn.gelu(h)
    h = sage(h, W2_l, b2, W2_r)
    # global_mean_pool over per-(pathway,batch) graphs
    batch_vec = jnp.repeat(jnp.arange(P * B, dtype=jnp.int32), NPG)
    pooled = jax.ops.segment_sum(h, batch_vec, num_segments=P * B) / float(NPG)
    graph_emb = pooled.reshape(B, P, DG)
    return graph_emb

if __name__ == "__main__":
    import jax
    _d = setup_inputs()
    print(jax.jit(kernel)(*tuple(_d.values())))

</pallas_src>

<mosaic_0001>
#map = affine_map<(d0, d1) -> (0, 0, 0)>
module attributes {stable_mosaic.version = 14 : i64} {
  func.func @build(%arg0: i32, %arg1: i32, %arg2: memref<32x2x3200xi32, #tpu.memory_space<hbm>>, %arg3: memref<32x200x256xf32, #tpu.memory_space<hbm>>, %arg4: memref<2x3200xi32, #tpu.memory_space<vmem>>, %arg5: memref<200x256xf32, #tpu.memory_space<vmem>>, %arg6: memref<4x16xi32, #tpu.memory_space<vmem>>, %arg7: memref<!tpu.dma_semaphore, #tpu.memory_space<semaphore_mem>>) attributes {dimension_semantics = [#tpu.dimension_semantics<core_parallel>, #tpu.dimension_semantics<subcore_parallel>], iteration_bounds = array<i64: 2, 16>, scalar_prefetch = 0 : i64, scratch_operands = 4 : i64, tpu.core_type = #tpu.core_type<sc_vector_subcore>, window_params = [{transform_indices = #map}, {transform_indices = #map}]} {
    %mul3A = arith.constant 2 : i32
    %mul3A_0 = arith.muli %arg1, %mul3A : i32
    %add3A = arith.addi %mul3A_0, %arg0 : i32
    %dma_start3A = arith.constant 0 : i32
    %dma_start3A_1 = arith.constant 0 : i32
    %dma_start3A_2 = tpu.memref_slice %arg2[%add3A, %dma_start3A, %dma_start3A_1] : memref<32x2x3200xi32, #tpu.memory_space<hbm>> -> memref<1x2x3200xi32, #tpu.memory_space<hbm>>
    %dma_start3A_3 = tpu.memref_squeeze %dma_start3A_2 : memref<1x2x3200xi32, #tpu.memory_space<hbm>> -> memref<2x3200xi32, #tpu.memory_space<hbm>>
    %dma_start3A_4 = arith.constant 0 : i32
    %dma_start3A_5 = arith.constant 0 : i32
    %dma_start3A_6 = tpu.memref_slice %arg2[%add3A, %dma_start3A_4, %dma_start3A_5] : memref<32x2x3200xi32, #tpu.memory_space<hbm>> -> memref<1x2x3200xi32, #tpu.memory_space<hbm>>
    %dma_start3A_7 = tpu.memref_squeeze %dma_start3A_6 : memref<1x2x3200xi32, #tpu.memory_space<hbm>> -> memref<2x3200xi32, #tpu.memory_space<hbm>>
    tpu.enqueue_dma source(%dma_start3A_7 : memref<2x3200xi32, #tpu.memory_space<hbm>>) target(%arg4 : memref<2x3200xi32, #tpu.memory_space<vmem>>) target_semaphore(%arg7 : memref<!tpu.dma_semaphore, #tpu.memory_space<semaphore_mem>>)
    %broadcast_in_dim3A = arith.constant 0.000000e+00 : f32
    %broadcast_in_dim3A_8 = vector.broadcast %broadcast_in_dim3A : f32 to vector<16xf32>
    %scan3A = arith.constant 0 : i32
    %scan3A_9 = arith.constant 0 : i32
    %scan3A_10 = arith.constant 200 : i32
    %scan3A_11 = arith.addi %scan3A_9, %scan3A_10 : i32
    %scan3A_12 = arith.constant 1 : i32
    scf.for %scan3A_41 = %scan3A_9 to %scan3A_11 step %scan3A_12  : i32 {
      %swap3A = arith.index_cast %scan3A_41 : i32 to index
      %swap3A_42 = arith.constant 0 : index
      %swap3A_43 = tpu.vector_load %arg5[%swap3A, %swap3A_42] {strides = array<i32>} : memref<200x256xf32, #tpu.memory_space<vmem>>, vector<16xf32>,
      tpu.vector_store %arg5[%swap3A, %swap3A_42], %broadcast_in_dim3A_8 {strides = array<i32>} : memref<200x256xf32, #tpu.memory_space<vmem>>, vector<16xf32>,
      %swap3A_44 = arith.index_cast %scan3A_41 : i32 to index
      %swap3A_45 = arith.constant 16 : index
      %swap3A_46 = tpu.vector_load %arg5[%swap3A_44, %swap3A_45] {strides = array<i32>} : memref<200x256xf32, #tpu.memory_space<vmem>>, vector<16xf32>,
      tpu.vector_store %arg5[%swap3A_44, %swap3A_45], %broadcast_in_dim3A_8 {strides = array<i32>} : memref<200x256xf32, #tpu.memory_space<vmem>>, vector<16xf32>,
      %swap3A_47 = arith.index_cast %scan3A_41 : i32 to index
      %swap3A_48 = arith.constant 32 : index
      %swap3A_49 = tpu.vector_load %arg5[%swap3A_47, %swap3A_48] {strides = array<i32>} : memref<200x256xf32, #tpu.memory_space<vmem>>, vector<16xf32>,
      tpu.vector_store %arg5[%swap3A_47, %swap3A_48], %broadcast_in_dim3A_8 {strides = array<i32>} : memref<200x256xf32, #tpu.memory_space<vmem>>, vector<16xf32>,
      %swap3A_50 = arith.index_cast %scan3A_41 : i32 to index
      %swap3A_51 = arith.constant 48 : index
      %swap3A_52 = tpu.vector_load %arg5[%swap3A_50, %swap3A_51] {strides = array<i32>} : memref<200x256xf32, #tpu.memory_space<vmem>>, vector<16xf32>,
      tpu.vector_store %arg5[%swap3A_50, %swap3A_51], %broadcast_in_dim3A_8 {strides = array<i32>} : memref<200x256xf32, #tpu.memory_space<vmem>>, vector<16xf32>,
      %swap3A_53 = arith.index_cast %scan3A_41 : i32 to index
      %swap3A_54 = arith.constant 64 : index
      %swap3A_55 = tpu.vector_load %arg5[%swap3A_53, %swap3A_54] {strides = array<i32>} : memref<200x256xf32, #tpu.memory_space<vmem>>, vector<16xf32>,
      tpu.vector_store %arg5[%swap3A_53, %swap3A_54], %broadcast_in_dim3A_8 {strides = array<i32>} : memref<200x256xf32, #tpu.memory_space<vmem>>, vector<16xf32>,
      %swap3A_56 = arith.index_cast %scan3A_41 : i32 to index
      %swap3A_57 = arith.constant 80 : index
      %swap3A_58 = tpu.vector_load %arg5[%swap3A_56, %swap3A_57] {strides = array<i32>} : memref<200x256xf32, #tpu.memory_space<vmem>>, vector<16xf32>,
      tpu.vector_store %arg5[%swap3A_56, %swap3A_57], %broadcast_in_dim3A_8 {strides = array<i32>} : memref<200x256xf32, #tpu.memory_space<vmem>>, vector<16xf32>,
      %swap3A_59 = arith.index_cast %scan3A_41 : i32 to index
      %swap3A_60 = arith.constant 96 : index
      %swap3A_61 = tpu.vector_load %arg5[%swap3A_59, %swap3A_60] {strides = array<i32>} : memref<200x256xf32, #tpu.memory_space<vmem>>, vector<16xf32>,
      tpu.vector_store %arg5[%swap3A_59, %swap3A_60], %broadcast_in_dim3A_8 {strides = array<i32>} : memref<200x256xf32, #tpu.memory_space<vmem>>, vector<16xf32>,
      %swap3A_62 = arith.index_cast %scan3A_41 : i32 to index
      %swap3A_63 = arith.constant 112 : index
      %swap3A_64 = tpu.vector_load %arg5[%swap3A_62, %swap3A_63] {strides = array<i32>} : memref<200x256xf32, #tpu.memory_space<vmem>>, vector<16xf32>,
      tpu.vector_store %arg5[%swap3A_62, %swap3A_63], %broadcast_in_dim3A_8 {strides = array<i32>} : memref<200x256xf32, #tpu.memory_space<vmem>>, vector<16xf32>,
      %swap3A_65 = arith.index_cast %scan3A_41 : i32 to index
      %swap3A_66 = arith.constant 128 : index
      %swap3A_67 = tpu.vector_load %arg5[%swap3A_65, %swap3A_66] {strides = array<i32>} : memref<200x256xf32, #tpu.memory_space<vmem>>, vector<16xf32>,
      tpu.vector_store %arg5[%swap3A_65, %swap3A_66], %broadcast_in_dim3A_8 {strides = array<i32>} : memref<200x256xf32, #tpu.memory_space<vmem>>, vector<16xf32>,
      %swap3A_68 = arith.index_cast %scan3A_41 : i32 to index
      %swap3A_69 = arith.constant 144 : index
      %swap3A_70 = tpu.vector_load %arg5[%swap3A_68, %swap3A_69] {strides = array<i32>} : memref<200x256xf32, #tpu.memory_space<vmem>>, vector<16xf32>,
      tpu.vector_store %arg5[%swap3A_68, %swap3A_69], %broadcast_in_dim3A_8 {strides = array<i32>} : memref<200x256xf32, #tpu.memory_space<vmem>>, vector<16xf32>,
      %swap3A_71 = arith.index_cast %scan3A_41 : i32 to index
      %swap3A_72 = arith.constant 160 : index
      %swap3A_73 = tpu.vector_load %arg5[%swap3A_71, %swap3A_72] {strides = array<i32>} : memref<200x256xf32, #tpu.memory_space<vmem>>, vector<16xf32>,
      tpu.vector_store %arg5[%swap3A_71, %swap3A_72], %broadcast_in_dim3A_8 {strides = array<i32>} : memref<200x256xf32, #tpu.memory_space<vmem>>, vector<16xf32>,
      %swap3A_74 = arith.index_cast %scan3A_41 : i32 to index
      %swap3A_75 = arith.constant 176 : index
      %swap3A_76 = tpu.vector_load %arg5[%swap3A_74, %swap3A_75] {strides = array<i32>} : memref<200x256xf32, #tpu.memory_space<vmem>>, vector<16xf32>,
      tpu.vector_store %arg5[%swap3A_74, %swap3A_75], %broadcast_in_dim3A_8 {strides = array<i32>} : memref<200x256xf32, #tpu.memory_space<vmem>>, vector<16xf32>,
      %swap3A_77 = arith.index_cast %scan3A_41 : i32 to index
      %swap3A_78 = arith.constant 192 : index
      %swap3A_79 = tpu.vector_load %arg5[%swap3A_77, %swap3A_78] {strides = array<i32>} : memref<200x256xf32, #tpu.memory_space<vmem>>, vector<16xf32>,
      tpu.vector_store %arg5[%swap3A_77, %swap3A_78], %broadcast_in_dim3A_8 {strides = array<i32>} : memref<200x256xf32, #tpu.memory_space<vmem>>, vector<16xf32>,
      %swap3A_80 = arith.index_cast %scan3A_41 : i32 to index
      %swap3A_81 = arith.constant 208 : index
      %swap3A_82 = tpu.vector_load %arg5[%swap3A_80, %swap3A_81] {strides = array<i32>} : memref<200x256xf32, #tpu.memory_space<vmem>>, vector<16xf32>,
      tpu.vector_store %arg5[%swap3A_80, %swap3A_81], %broadcast_in_dim3A_8 {strides = array<i32>} : memref<200x256xf32, #tpu.memory_space<vmem>>, vector<16xf32>,
      %swap3A_83 = arith.index_cast %scan3A_41 : i32 to index
      %swap3A_84 = arith.constant 224 : index
      %swap3A_85 = tpu.vector_load %arg5[%swap3A_83, %swap3A_84] {strides = array<i32>} : memref<200x256xf32, #tpu.memory_space<vmem>>, vector<16xf32>,
      tpu.vector_store %arg5[%swap3A_83, %swap3A_84], %broadcast_in_dim3A_8 {strides = array<i32>} : memref<200x256xf32, #tpu.memory_space<vmem>>, vector<16xf32>,
      %swap3A_86 = arith.index_cast %scan3A_41 : i32 to index
      %swap3A_87 = arith.constant 240 : index
      %swap3A_88 = tpu.vector_load %arg5[%swap3A_86, %swap3A_87] {strides = array<i32>} : memref<200x256xf32, #tpu.memory_space<vmem>>, vector<16xf32>,
      tpu.vector_store %arg5[%swap3A_86, %swap3A_87], %broadcast_in_dim3A_8 {strides = array<i32>} : memref<200x256xf32, #tpu.memory_space<vmem>>, vector<16xf32>,
    }
    %scan3A_13 = arith.constant 200 : i32
    %dma_wait3A = arith.constant 0 : i32
    %dma_wait3A_14 = arith.constant 0 : i32
    %dma_wait3A_15 = tpu.memref_slice %arg2[%add3A, %dma_wait3A, %dma_wait3A_14] : memref<32x2x3200xi32, #tpu.memory_space<hbm>> -> memref<1x2x3200xi32, #tpu.memory_space<hbm>>
    %dma_wait3A_16 = tpu.memref_squeeze %dma_wait3A_15 : memref<1x2x3200xi32, #tpu.memory_space<hbm>> -> memref<2x3200xi32, #tpu.memory_space<hbm>>
    %dma_wait3A_17 = arith.constant 0 : i32
    %dma_wait3A_18 = arith.constant 0 : i32
    %dma_wait3A_19 = tpu.memref_slice %arg2[%add3A, %dma_wait3A_17, %dma_wait3A_18] : memref<32x2x3200xi32, #tpu.memory_space<hbm>> -> memref<1x2x3200xi32, #tpu.memory_space<hbm>>
    %dma_wait3A_20 = tpu.memref_squeeze %dma_wait3A_19 : memref<1x2x3200xi32, #tpu.memory_space<hbm>> -> memref<2x3200xi32, #tpu.memory_space<hbm>>
    tpu.wait_dma2 semaphore(%arg7 : memref<!tpu.dma_semaphore, #tpu.memory_space<semaphore_mem>>) src(%dma_wait3A_20 : memref<2x3200xi32, #tpu.memory_space<hbm>>) dst(%arg4 : memref<2x3200xi32, #tpu.memory_space<vmem>>)
    %iota3A = tpu.iota {dimensions = array<i32: 0>} : vector<16xi32>
    %eq3A = arith.constant 15 : i32
    %eq3A_21 = vector.broadcast %eq3A : i32 to vector<16xi32>
    %eq3A_22 = arith.cmpi eq, %iota3A, %eq3A_21 : vector<16xi32>
    %eq3A_23 = arith.constant 0 : i32
    %eq3A_24 = vector.broadcast %eq3A_23 : i32 to vector<16xi32>
    %eq3A_25 = arith.cmpi eq, %iota3A, %eq3A_24 : vector<16xi32>
    %add3A_26 = arith.constant 1 : i32
    %add3A_27 = vector.broadcast %add3A_26 : i32 to vector<16xi32>
    %add3A_28 = arith.addi %iota3A, %add3A_27 : vector<16xi32>
    %min3A = arith.constant 15 : i32
    %min3A_29 = vector.broadcast %min3A : i32 to vector<16xi32>
    %min3A_30 = arith.minsi %add3A_28, %min3A_29 : vector<16xi32>
    %sub3A = arith.constant 1 : i32
    %sub3A_31 = vector.broadcast %sub3A : i32 to vector<16xi32>
    %sub3A_32 = arith.subi %iota3A, %sub3A_31 : vector<16xi32>
    %max3A = arith.constant 0 : i32
    %max3A_33 = vector.broadcast %max3A : i32 to vector<16xi32>
    %max3A_34 = arith.maxsi %sub3A_32, %max3A_33 : vector<16xi32>
    %scan3A_35 = arith.constant 0 : i32
    %scan3A_36 = arith.constant 0 : i32
    %scan3A_37 = arith.constant 50 : i32
    %scan3A_38 = arith.addi %scan3A_36, %scan3A_37 : i32
    %scan3A_39 = arith.constant 1 : i32
    scf.for %scan3A_41 = %scan3A_36 to %scan3A_38 step %scan3A_39  : i32 {
      %mul3A_42 = arith.constant 4 : i32
      %mul3A_43 = arith.muli %scan3A_41, %mul3A_42 : i32
      %add3A_44 = arith.constant 0 : i32
      %add3A_45 = arith.addi %mul3A_43, %add3A_44 : i32
      %mul3A_46 = arith.constant 16 : i32
      %mul3A_47 = arith.muli %add3A_45, %mul3A_46 : i32
      %get3A = arith.constant 0 : i32
      %get3A_48 = arith.index_cast %get3A : i32 to index
      %get3A_49 = arith.index_cast %mul3A_47 : i32 to index
      %get3A_50 = tpu.vector_load %arg4[%get3A_48, %get3A_49] {strides = array<i32>} : memref<2x3200xi32, #tpu.memory_space<vmem>>, vector<16xi32>,
      %mul3A_51 = arith.constant 4 : i32
      %mul3A_52 = arith.muli %scan3A_41, %mul3A_51 : i32
      %add3A_53 = arith.constant 0 : i32
      %add3A_54 = arith.addi %mul3A_52, %add3A_53 : i32
      %mul3A_55 = arith.constant 16 : i32
      %mul3A_56 = arith.muli %add3A_54, %mul3A_55 : i32
      %get3A_57 = arith.constant 1 : i32
      %get3A_58 = arith.index_cast %get3A_57 : i32 to index
      %get3A_59 = arith.index_cast %mul3A_56 : i32 to index
      %get3A_60 = tpu.vector_load %arg4[%get3A_58, %get3A_59] {strides = array<i32>} : memref<2x3200xi32, #tpu.memory_space<vmem>>, vector<16xi32>,
      %shift_left3A = arith.constant 8 : i32
      %shift_left3A_61 = vector.broadcast %shift_left3A : i32 to vector<16xi32>
      %shift_left3A_62 = arith.shli %get3A_60, %shift_left3A_61 : vector<16xi32>
      %or3A = arith.ori %shift_left3A_62, %get3A_50 : vector<16xi32>
      %masked_sort3A = arith.constant dense<true> : vector<16xi1>
      %masked_sort3A_63 = arith.constant -2147483648 : i32
      %masked_sort3A_64 = vector.broadcast %masked_sort3A_63 : i32 to vector<16xi32>
      %masked_sort3A_65 = arith.xori %or3A, %masked_sort3A_64 : vector<16xi32>
      %masked_sort3A_66, %masked_sort3A_67, %masked_sort3A_68 = tpu.sort %masked_sort3A_65, %or3A masked %masked_sort3A : (vector<16xi32>, vector<16xi32>, vector<16xi1>) -> (vector<16xi1>, vector<16xi32>, vector<16xi32>)
      %masked_sort3A_69 = arith.xori %masked_sort3A_67, %masked_sort3A_64 : vector<16xi32>
      %swap3A = arith.constant 0 : i32
      %swap3A_70 = arith.index_cast %swap3A : i32 to index
      %swap3A_71 = arith.constant 0 : index
      %swap3A_72 = tpu.vector_load %arg6[%swap3A_70, %swap3A_71] {strides = array<i32>} : memref<4x16xi32, #tpu.memory_space<vmem>>, vector<16xi32>,
      tpu.vector_store %arg6[%swap3A_70, %swap3A_71], %masked_sort3A_69 {strides = array<i32>} : memref<4x16xi32, #tpu.memory_space<vmem>>, vector<16xi32>,
      %gather3A = arith.constant 0 : i32
      %gather3A_73 = arith.constant 0 : i32
      %gather3A_74 = tpu.memref_slice %arg6[%gather3A, %gather3A_73] : memref<4x16xi32, #tpu.memory_space<vmem>> -> memref<1x16xi32, #tpu.memory_space<vmem>>
      %gather3A_75 = tpu.memref_squeeze %gather3A_74 : memref<1x16xi32, #tpu.memory_space<vmem>> -> memref<16xi32, #tpu.memory_space<vmem>>
      %gather3A_76 = tpu.vector_load_idx %gather3A_75[%min3A_30] : memref<16xi32, #tpu.memory_space<vmem>>[vector<16xi32>], vector<16xi32>,
      %gather3A_77 = arith.constant 0 : i32
      %gather3A_78 = arith.constant 0 : i32
      %gather3A_79 = tpu.memref_slice %arg6[%gather3A_77, %gather3A_78] : memref<4x16xi32, #tpu.memory_space<vmem>> -> memref<1x16xi32, #tpu.memory_space<vmem>>
      %gather3A_80 = tpu.memref_squeeze %gather3A_79 : memref<1x16xi32, #tpu.memory_space<vmem>> -> memref<16xi32, #tpu.memory_space<vmem>>
      %gather3A_81 = tpu.vector_load_idx %gather3A_80[%max3A_34] : memref<16xi32, #tpu.memory_space<vmem>>[vector<16xi32>], vector<16xi32>,
      %ne3A = arith.cmpi ne, %masked_sort3A_69, %gather3A_76 : vector<16xi32>
      %or3A_82 = arith.ori %ne3A, %eq3A_22 : vector<16xi1>
      %ne3A_83 = arith.cmpi ne, %masked_sort3A_69, %gather3A_81 : vector<16xi32>
      %or3A_84 = arith.ori %ne3A_83, %eq3A_25 : vector<16xi1>
      %jit3A = arith.constant 0 : i32
      %broadcast_in_dim3A_85 = vector.broadcast %jit3A : i32 to vector<16xi32>
      %select_n3A = arith.select %or3A_84, %iota3A, %broadcast_in_dim3A_85 : vector<16xi1>, vector<16xi32>
      %broadcast_in_dim3A_86 = arith.constant true
      %broadcast_in_dim3A_87 = vector.broadcast %broadcast_in_dim3A_86 : i1 to vector<16xi1>
      %masked_cummax3A = arith.constant -2147483648 : i32
      %masked_cummax3A_88 = vector.broadcast %masked_cummax3A : i32 to vector<16xi32>
      %masked_cummax3A_89 = arith.xori %select_n3A, %masked_cummax3A_88 : vector<16xi32>
      %masked_cummax3A_90 = tpu.scan <max>, %masked_cummax3A_89 masked %broadcast_in_dim3A_87 : vector<16xi32>, vector<16xi1> -> vector<16xi32>
      %masked_cummax3A_91 = arith.xori %masked_cummax3A_90, %masked_cummax3A_88 : vector<16xi32>
      %sub3A_92 = arith.subi %iota3A, %masked_cummax3A_91 : vector<16xi32>
      %add3A_93 = arith.constant 1 : i32
      %add3A_94 = vector.broadcast %add3A_93 : i32 to vector<16xi32>
      %add3A_95 = arith.addi %sub3A_92, %add3A_94 : vector<16xi32>
      %convert_element_type3A = arith.sitofp %add3A_95 : vector<16xi32> to vector<16xf32>
      %shift_right_arithmetic3A = arith.constant 8 : i32
      %shift_right_arithmetic3A_96 = vector.broadcast %shift_right_arithmetic3A : i32 to vector<16xi32>
      %shift_right_arithmetic3A_97 = arith.shrsi %masked_sort3A_69, %shift_right_arithmetic3A_96 : vector<16xi32>
      %and3A = arith.constant 255 : i32
      %and3A_98 = vector.broadcast %and3A : i32 to vector<16xi32>
      %and3A_99 = arith.andi %masked_sort3A_69, %and3A_98 : vector<16xi32>
      tpu.vector_store_idx %arg5[%shift_right_arithmetic3A_97, %and3A_99], %convert_element_type3A masked %or3A_82 {add = true} : memref<200x256xf32, #tpu.memory_space<vmem>>[vector<16xi32>, vector<16xi32>], vector<16xf32>, vector<16xi1>
      %mul3A_100 = arith.constant 4 : i32
      %mul3A_101 = arith.muli %scan3A_41, %mul3A_100 : i32
      %add3A_102 = arith.constant 1 : i32
      %add3A_103 = arith.addi %mul3A_101, %add3A_102 : i32
      %mul3A_104 = arith.constant 16 : i32
      %mul3A_105 = arith.muli %add3A_103, %mul3A_104 : i32
      %get3A_106 = arith.constant 0 : i32
      %get3A_107 = arith.index_cast %get3A_106 : i32 to index
      %get3A_108 = arith.index_cast %mul3A_105 : i32 to index
      %get3A_109 = tpu.vector_load %arg4[%get3A_107, %get3A_108] {strides = array<i32>} : memref<2x3200xi32, #tpu.memory_space<vmem>>, vector<16xi32>,
      %mul3A_110 = arith.constant 4 : i32
      %mul3A_111 = arith.muli %scan3A_41, %mul3A_110 : i32
      %add3A_112 = arith.constant 1 : i32
      %add3A_113 = arith.addi %mul3A_111, %add3A_112 : i32
      %mul3A_114 = arith.constant 16 : i32
      %mul3A_115 = arith.muli %add3A_113, %mul3A_114 : i32
      %get3A_116 = arith.constant 1 : i32
      %get3A_117 = arith.index_cast %get3A_116 : i32 to index
      %get3A_118 = arith.index_cast %mul3A_115 : i32 to index
      %get3A_119 = tpu.vector_load %arg4[%get3A_117, %get3A_118] {strides = array<i32>} : memref<2x3200xi32, #tpu.memory_space<vmem>>, vector<16xi32>,
      %shift_left3A_120 = arith.constant 8 : i32
      %shift_left3A_121 = vector.broadcast %shift_left3A_120 : i32 to vector<16xi32>
      %shift_left3A_122 = arith.shli %get3A_119, %shift_left3A_121 : vector<16xi32>
      %or3A_123 = arith.ori %shift_left3A_122, %get3A_109 : vector<16xi32>
      %masked_sort3A_124 = arith.constant dense<true> : vector<16xi1>
      %masked_sort3A_125 = arith.constant -2147483648 : i32
      %masked_sort3A_126 = vector.broadcast %masked_sort3A_125 : i32 to vector<16xi32>
      %masked_sort3A_127 = arith.xori %or3A_123, %masked_sort3A_126 : vector<16xi32>
      %masked_sort3A_128, %masked_sort3A_129, %masked_sort3A_130 = tpu.sort %masked_sort3A_127, %or3A_123 masked %masked_sort3A_124 : (vector<16xi32>, vector<16xi32>, vector<16xi1>) -> (vector<16xi1>, vector<16xi32>, vector<16xi32>)
      %masked_sort3A_131 = arith.xori %masked_sort3A_129, %masked_sort3A_126 : vector<16xi32>
      %swap3A_132 = arith.constant 1 : i32
      %swap3A_133 = arith.index_cast %swap3A_132 : i32 to index
      %swap3A_134 = arith.constant 0 : index
      %swap3A_135 = tpu.vector_load %arg6[%swap3A_133, %swap3A_134] {strides = array<i32>} : memref<4x16xi32, #tpu.memory_space<vmem>>, vector<16xi32>,
      tpu.vector_store %arg6[%swap3A_133, %swap3A_134], %masked_sort3A_131 {strides = array<i32>} : memref<4x16xi32, #tpu.memory_space<vmem>>, vector<16xi32>,
      %gather3A_136 = arith.constant 1 : i32
      %gather3A_137 = arith.constant 0 : i32
      %gather3A_138 = tpu.memref_slice %arg6[%gather3A_136, %gather3A_137] : memref<4x16xi32, #tpu.memory_space<vmem>> -> memref<1x16xi32, #tpu.memory_space<vmem>>
      %gather3A_139 = tpu.memref_squeeze %gather3A_138 : memref<1x16xi32, #tpu.memory_space<vmem>> -> memref<16xi32, #tpu.memory_space<vmem>>
      %gather3A_140 = tpu.vector_load_idx %gather3A_139[%min3A_30] : memref<16xi32, #tpu.memory_space<vmem>>[vector<16xi32>], vector<16xi32>,
      %gather3A_141 = arith.constant 1 : i32
      %gather3A_142 = arith.constant 0 : i32
      %gather3A_143 = tpu.memref_slice %arg6[%gather3A_141, %gather3A_142] : memref<4x16xi32, #tpu.memory_space<vmem>> -> memref<1x16xi32, #tpu.memory_space<vmem>>
      %gather3A_144 = tpu.memref_squeeze %gather3A_143 : memref<1x16xi32, #tpu.memory_space<vmem>> -> memref<16xi32, #tpu.memory_space<vmem>>
      %gather3A_145 = tpu.vector_load_idx %gather3A_144[%max3A_34] : memref<16xi32, #tpu.memory_space<vmem>>[vector<16xi32>], vector<16xi32>,
      %ne3A_146 = arith.cmpi ne, %masked_sort3A_131, %gather3A_140 : vector<16xi32>
      %or3A_147 = arith.ori %ne3A_146, %eq3A_22 : vector<16xi1>
      %ne3A_148 = arith.cmpi ne, %masked_sort3A_131, %gather3A_145 : vector<16xi32>
      %or3A_149 = arith.ori %ne3A_148, %eq3A_25 : vector<16xi1>
      %jit3A_150 = arith.constant 0 : i32
      %broadcast_in_dim3A_151 = vector.broadcast %jit3A_150 : i32 to vector<16xi32>
      %select_n3A_152 = arith.select %or3A_149, %iota3A, %broadcast_in_dim3A_151 : vector<16xi1>, vector<16xi32>
      %broadcast_in_dim3A_153 = arith.constant true
      %broadcast_in_dim3A_154 = vector.broadcast %broadcast_in_dim3A_153 : i1 to vector<16xi1>
      %masked_cummax3A_155 = arith.constant -2147483648 : i32
      %masked_cummax3A_156 = vector.broadcast %masked_cummax3A_155 : i32 to vector<16xi32>
      %masked_cummax3A_157 = arith.xori %select_n3A_152, %masked_cummax3A_156 : vector<16xi32>
      %masked_cummax3A_158 = tpu.scan <max>, %masked_cummax3A_157 masked %broadcast_in_dim3A_154 : vector<16xi32>, vector<16xi1> -> vector<16xi32>
      %masked_cummax3A_159 = arith.xori %masked_cummax3A_158, %masked_cummax3A_156 : vector<16xi32>
      %sub3A_160 = arith.subi %iota3A, %masked_cummax3A_159 : vector<16xi32>
      %add3A_161 = arith.constant 1 : i32
      %add3A_162 = vector.broadcast %add3A_161 : i32 to vector<16xi32>
      %add3A_163 = arith.addi %sub3A_160, %add3A_162 : vector<16xi32>
      %convert_element_type3A_164 = arith.sitofp %add3A_163 : vector<16xi32> to vector<16xf32>
      %shift_right_arithmetic3A_165 = arith.constant 8 : i32
      %shift_right_arithmetic3A_166 = vector.broadcast %shift_right_arithmetic3A_165 : i32 to vector<16xi32>
      %shift_right_arithmetic3A_167 = arith.shrsi %masked_sort3A_131, %shift_right_arithmetic3A_166 : vector<16xi32>
      %and3A_168 = arith.constant 255 : i32
      %and3A_169 = vector.broadcast %and3A_168 : i32 to vector<16xi32>
      %and3A_170 = arith.andi %masked_sort3A_131, %and3A_169 : vector<16xi32>
      tpu.vector_store_idx %arg5[%shift_right_arithmetic3A_167, %and3A_170], %convert_element_type3A_164 masked %or3A_147 {add = true} : memref<200x256xf32, #tpu.memory_space<vmem>>[vector<16xi32>, vector<16xi32>], vector<16xf32>, vector<16xi1>
      %mul3A_171 = arith.constant 4 : i32
      %mul3A_172 = arith.muli %scan3A_41, %mul3A_171 : i32
      %add3A_173 = arith.constant 2 : i32
      %add3A_174 = arith.addi %mul3A_172, %add3A_173 : i32
      %mul3A_175 = arith.constant 16 : i32
      %mul3A_176 = arith.muli %add3A_174, %mul3A_175 : i32
      %get3A_177 = arith.constant 0 : i32
      %get3A_178 = arith.index_cast %get3A_177 : i32 to index
      %get3A_179 = arith.index_cast %mul3A_176 : i32 to index
      %get3A_180 = tpu.vector_load %arg4[%get3A_178, %get3A_179] {strides = array<i32>} : memref<2x3200xi32, #tpu.memory_space<vmem>>, vector<16xi32>,
      %mul3A_181 = arith.constant 4 : i32
      %mul3A_182 = arith.muli %scan3A_41, %mul3A_181 : i32
      %add3A_183 = arith.constant 2 : i32
      %add3A_184 = arith.addi %mul3A_182, %add3A_183 : i32
      %mul3A_185 = arith.constant 16 : i32
      %mul3A_186 = arith.muli %add3A_184, %mul3A_185 : i32
      %get3A_187 = arith.constant 1 : i32
      %get3A_188 = arith.index_cast %get3A_187 : i32 to index
      %get3A_189 = arith.index_cast %mul3A_186 : i32 to index
      %get3A_190 = tpu.vector_load %arg4[%get3A_188, %get3A_189] {strides = array<i32>} : memref<2x3200xi32, #tpu.memory_space<vmem>>, vector<16xi32>,
      %shift_left3A_191 = arith.constant 8 : i32
      %shift_left3A_192 = vector.broadcast %shift_left3A_191 : i32 to vector<16xi32>
      %shift_left3A_193 = arith.shli %get3A_190, %shift_left3A_192 : vector<16xi32>
      %or3A_194 = arith.ori %shift_left3A_193, %get3A_180 : vector<16xi32>
      %masked_sort3A_195 = arith.constant dense<true> : vector<16xi1>
      %masked_sort3A_196 = arith.constant -2147483648 : i32
      %masked_sort3A_197 = vector.broadcast %masked_sort3A_196 : i32 to vector<16xi32>
      %masked_sort3A_198 = arith.xori %or3A_194, %masked_sort3A_197 : vector<16xi32>
      %masked_sort3A_199, %masked_sort3A_200, %masked_sort3A_201 = tpu.sort %masked_sort3A_198, %or3A_194 masked %masked_sort3A_195 : (vector<16xi32>, vector<16xi32>, vector<16xi1>) -> (vector<16xi1>, vector<16xi32>, vector<16xi32>)
      %masked_sort3A_202 = arith.xori %masked_sort3A_200, %masked_sort3A_197 : vector<16xi32>
      %swap3A_203 = arith.constant 2 : i32
      %swap3A_204 = arith.index_cast %swap3A_203 : i32 to index
      %swap3A_205 = arith.constant 0 : index
      %swap3A_206 = tpu.vector_load %arg6[%swap3A_204, %swap3A_205] {strides = array<i32>} : memref<4x16xi32, #tpu.memory_space<vmem>>, vector<16xi32>,
      tpu.vector_store %arg6[%swap3A_204, %swap3A_205], %masked_sort3A_202 {strides = array<i32>} : memref<4x16xi32, #tpu.memory_space<vmem>>, vector<16xi32>,
      %gather3A_207 = arith.constant 2 : i32
      %gather3A_208 = arith.constant 0 : i32
      %gather3A_209 = tpu.memref_slice %arg6[%gather3A_207, %gather3A_208] : memref<4x16xi32, #tpu.memory_space<vmem>> -> memref<1x16xi32, #tpu.memory_space<vmem>>
      %gather3A_210 = tpu.memref_squeeze %gather3A_209 : memref<1x16xi32, #tpu.memory_space<vmem>> -> memref<16xi32, #tpu.memory_space<vmem>>
      %gather3A_211 = tpu.vector_load_idx %gather3A_210[%min3A_30] : memref<16xi32, #tpu.memory_space<vmem>>[vector<16xi32>], vector<16xi32>,
      %gather3A_212 = arith.constant 2 : i32
      %gather3A_213 = arith.constant 0 : i32
      %gather3A_214 = tpu.memref_slice %arg6[%gather3A_212, %gather3A_213] : memref<4x16xi32, #tpu.memory_space<vmem>> -> memref<1x16xi32, #tpu.memory_space<vmem>>
      %gather3A_215 = tpu.memref_squeeze %gather3A_214 : memref<1x16xi32, #tpu.memory_space<vmem>> -> memref<16xi32, #tpu.memory_space<vmem>>
      %gather3A_216 = tpu.vector_load_idx %gather3A_215[%max3A_34] : memref<16xi32, #tpu.memory_space<vmem>>[vector<16xi32>], vector<16xi32>,
      %ne3A_217 = arith.cmpi ne, %masked_sort3A_202, %gather3A_211 : vector<16xi32>
      %or3A_218 = arith.ori %ne3A_217, %eq3A_22 : vector<16xi1>
      %ne3A_219 = arith.cmpi ne, %masked_sort3A_202, %gather3A_216 : vector<16xi32>
      %or3A_220 = arith.ori %ne3A_219, %eq3A_25 : vector<16xi1>
      %jit3A_221 = arith.constant 0 : i32
      %broadcast_in_dim3A_222 = vector.broadcast %jit3A_221 : i32 to vector<16xi32>
      %select_n3A_223 = arith.select %or3A_220, %iota3A, %broadcast_in_dim3A_222 : vector<16xi1>, vector<16xi32>
      %broadcast_in_dim3A_224 = arith.constant true
      %broadcast_in_dim3A_225 = vector.broadcast %broadcast_in_dim3A_224 : i1 to vector<16xi1>
      %masked_cummax3A_226 = arith.constant -2147483648 : i32
      %masked_cummax3A_227 = vector.broadcast %masked_cummax3A_226 : i32 to vector<16xi32>
      %masked_cummax3A_228 = arith.xori %select_n3A_223, %masked_cummax3A_227 : vector<16xi32>
      %masked_cummax3A_229 = tpu.scan <max>, %masked_cummax3A_228 masked %broadcast_in_dim3A_225 : vector<16xi32>, vector<16xi1> -> vector<16xi32>
      %masked_cummax3A_230 = arith.xori %masked_cummax3A_229, %masked_cummax3A_227 : vector<16xi32>
      %sub3A_231 = arith.subi %iota3A, %masked_cummax3A_230 : vector<16xi32>
      %add3A_232 = arith.constant 1 : i32
      %add3A_233 = vector.broadcast %add3A_232 : i32 to vector<16xi32>
      %add3A_234 = arith.addi %sub3A_231, %add3A_233 : vector<16xi32>
      %convert_element_type3A_235 = arith.sitofp %add3A_234 : vector<16xi32> to vector<16xf32>
      %shift_right_arithmetic3A_236 = arith.constant 8 : i32
      %shift_right_arithmetic3A_237 = vector.broadcast %shift_right_arithmetic3A_236 : i32 to vector<16xi32>
      %shift_right_arithmetic3A_238 = arith.shrsi %masked_sort3A_202, %shift_right_arithmetic3A_237 : vector<16xi32>
      %and3A_239 = arith.constant 255 : i32
      %and3A_240 = vector.broadcast %and3A_239 : i32 to vector<16xi32>
      %and3A_241 = arith.andi %masked_sort3A_202, %and3A_240 : vector<16xi32>
      tpu.vector_store_idx %arg5[%shift_right_arithmetic3A_238, %and3A_241], %convert_element_type3A_235 masked %or3A_218 {add = true} : memref<200x256xf32, #tpu.memory_space<vmem>>[vector<16xi32>, vector<16xi32>], vector<16xf32>, vector<16xi1>
      %mul3A_242 = arith.constant 4 : i32
      %mul3A_243 = arith.muli %scan3A_41, %mul3A_242 : i32
      %add3A_244 = arith.constant 3 : i32
      %add3A_245 = arith.addi %mul3A_243, %add3A_244 : i32
      %mul3A_246 = arith.constant 16 : i32
      %mul3A_247 = arith.muli %add3A_245, %mul3A_246 : i32
      %get3A_248 = arith.constant 0 : i32
      %get3A_249 = arith.index_cast %get3A_248 : i32 to index
      %get3A_250 = arith.index_cast %mul3A_247 : i32 to index
      %get3A_251 = tpu.vector_load %arg4[%get3A_249, %get3A_250] {strides = array<i32>} : memref<2x3200xi32, #tpu.memory_space<vmem>>, vector<16xi32>,
      %mul3A_252 = arith.constant 4 : i32
      %mul3A_253 = arith.muli %scan3A_41, %mul3A_252 : i32
      %add3A_254 = arith.constant 3 : i32
      %add3A_255 = arith.addi %mul3A_253, %add3A_254 : i32
      %mul3A_256 = arith.constant 16 : i32
      %mul3A_257 = arith.muli %add3A_255, %mul3A_256 : i32
      %get3A_258 = arith.constant 1 : i32
      %get3A_259 = arith.index_cast %get3A_258 : i32 to index
      %get3A_260 = arith.index_cast %mul3A_257 : i32 to index
      %get3A_261 = tpu.vector_load %arg4[%get3A_259, %get3A_260] {strides = array<i32>} : memref<2x3200xi32, #tpu.memory_space<vmem>>, vector<16xi32>,
      %shift_left3A_262 = arith.constant 8 : i32
      %shift_left3A_263 = vector.broadcast %shift_left3A_262 : i32 to vector<16xi32>
      %shift_left3A_264 = arith.shli %get3A_261, %shift_left3A_263 : vector<16xi32>
      %or3A_265 = arith.ori %shift_left3A_264, %get3A_251 : vector<16xi32>
      %masked_sort3A_266 = arith.constant dense<true> : vector<16xi1>
      %masked_sort3A_267 = arith.constant -2147483648 : i32
      %masked_sort3A_268 = vector.broadcast %masked_sort3A_267 : i32 to vector<16xi32>
      %masked_sort3A_269 = arith.xori %or3A_265, %masked_sort3A_268 : vector<16xi32>
      %masked_sort3A_270, %masked_sort3A_271, %masked_sort3A_272 = tpu.sort %masked_sort3A_269, %or3A_265 masked %masked_sort3A_266 : (vector<16xi32>, vector<16xi32>, vector<16xi1>) -> (vector<16xi1>, vector<16xi32>, vector<16xi32>)
      %masked_sort3A_273 = arith.xori %masked_sort3A_271, %masked_sort3A_268 : vector<16xi32>
      %swap3A_274 = arith.constant 3 : i32
      %swap3A_275 = arith.index_cast %swap3A_274 : i32 to index
      %swap3A_276 = arith.constant 0 : index
      %swap3A_277 = tpu.vector_load %arg6[%swap3A_275, %swap3A_276] {strides = array<i32>} : memref<4x16xi32, #tpu.memory_space<vmem>>, vector<16xi32>,
      tpu.vector_store %arg6[%swap3A_275, %swap3A_276], %masked_sort3A_273 {strides = array<i32>} : memref<4x16xi32, #tpu.memory_space<vmem>>, vector<16xi32>,
      %gather3A_278 = arith.constant 3 : i32
      %gather3A_279 = arith.constant 0 : i32
      %gather3A_280 = tpu.memref_slice %arg6[%gather3A_278, %gather3A_279] : memref<4x16xi32, #tpu.memory_space<vmem>> -> memref<1x16xi32, #tpu.memory_space<vmem>>
      %gather3A_281 = tpu.memref_squeeze %gather3A_280 : memref<1x16xi32, #tpu.memory_space<vmem>> -> memref<16xi32, #tpu.memory_space<vmem>>
      %gather3A_282 = tpu.vector_load_idx %gather3A_281[%min3A_30] : memref<16xi32, #tpu.memory_space<vmem>>[vector<16xi32>], vector<16xi32>,
      %gather3A_283 = arith.constant 3 : i32
      %gather3A_284 = arith.constant 0 : i32
      %gather3A_285 = tpu.memref_slice %arg6[%gather3A_283, %gather3A_284] : memref<4x16xi32, #tpu.memory_space<vmem>> -> memref<1x16xi32, #tpu.memory_space<vmem>>
      %gather3A_286 = tpu.memref_squeeze %gather3A_285 : memref<1x16xi32, #tpu.memory_space<vmem>> -> memref<16xi32, #tpu.memory_space<vmem>>
      %gather3A_287 = tpu.vector_load_idx %gather3A_286[%max3A_34] : memref<16xi32, #tpu.memory_space<vmem>>[vector<16xi32>], vector<16xi32>,
      %ne3A_288 = arith.cmpi ne, %masked_sort3A_273, %gather3A_282 : vector<16xi32>
      %or3A_289 = arith.ori %ne3A_288, %eq3A_22 : vector<16xi1>
      %ne3A_290 = arith.cmpi ne, %masked_sort3A_273, %gather3A_287 : vector<16xi32>
      %or3A_291 = arith.ori %ne3A_290, %eq3A_25 : vector<16xi1>
      %jit3A_292 = arith.constant 0 : i32
      %broadcast_in_dim3A_293 = vector.broadcast %jit3A_292 : i32 to vector<16xi32>
      %select_n3A_294 = arith.select %or3A_291, %iota3A, %broadcast_in_dim3A_293 : vector<16xi1>, vector<16xi32>
      %broadcast_in_dim3A_295 = arith.constant true
      %broadcast_in_dim3A_296 = vector.broadcast %broadcast_in_dim3A_295 : i1 to vector<16xi1>
      %masked_cummax3A_297 = arith.constant -2147483648 : i32
      %masked_cummax3A_298 = vector.broadcast %masked_cummax3A_297 : i32 to vector<16xi32>
      %masked_cummax3A_299 = arith.xori %select_n3A_294, %masked_cummax3A_298 : vector<16xi32>
      %masked_cummax3A_300 = tpu.scan <max>, %masked_cummax3A_299 masked %broadcast_in_dim3A_296 : vector<16xi32>, vector<16xi1> -> vector<16xi32>
      %masked_cummax3A_301 = arith.xori %masked_cummax3A_300, %masked_cummax3A_298 : vector<16xi32>
      %sub3A_302 = arith.subi %iota3A, %masked_cummax3A_301 : vector<16xi32>
      %add3A_303 = arith.constant 1 : i32
      %add3A_304 = vector.broadcast %add3A_303 : i32 to vector<16xi32>
      %add3A_305 = arith.addi %sub3A_302, %add3A_304 : vector<16xi32>
      %convert_element_type3A_306 = arith.sitofp %add3A_305 : vector<16xi32> to vector<16xf32>
      %shift_right_arithmetic3A_307 = arith.constant 8 : i32
      %shift_right_arithmetic3A_308 = vector.broadcast %shift_right_arithmetic3A_307 : i32 to vector<16xi32>
      %shift_right_arithmetic3A_309 = arith.shrsi %masked_sort3A_273, %shift_right_arithmetic3A_308 : vector<16xi32>
      %and3A_310 = arith.constant 255 : i32
      %and3A_311 = vector.broadcast %and3A_310 : i32 to vector<16xi32>
      %and3A_312 = arith.andi %masked_sort3A_273, %and3A_311 : vector<16xi32>
      tpu.vector_store_idx %arg5[%shift_right_arithmetic3A_309, %and3A_312], %convert_element_type3A_306 masked %or3A_289 {add = true} : memref<200x256xf32, #tpu.memory_space<vmem>>[vector<16xi32>, vector<16xi32>], vector<16xf32>, vector<16xi1>
    }
    %scan3A_40 = arith.constant 50 : i32
    "tpu.region"() ({
      %run_scoped3A = tpu.sem_alloc : memref<!tpu.dma_semaphore, #tpu.memory_space<semaphore_mem>>
      %dma_start3A_41 = arith.constant 0 : i32
      %dma_start3A_42 = arith.constant 0 : i32
      %dma_start3A_43 = tpu.memref_slice %arg3[%add3A, %dma_start3A_41, %dma_start3A_42] : memref<32x200x256xf32, #tpu.memory_space<hbm>> -> memref<1x200x256xf32, #tpu.memory_space<hbm>>
      %dma_start3A_44 = tpu.memref_squeeze %dma_start3A_43 : memref<1x200x256xf32, #tpu.memory_space<hbm>> -> memref<200x256xf32, #tpu.memory_space<hbm>>
      %dma_start3A_45 = arith.constant 0 : i32
      %dma_start3A_46 = arith.constant 0 : i32
      %dma_start3A_47 = tpu.memref_slice %arg3[%add3A, %dma_start3A_45, %dma_start3A_46] : memref<32x200x256xf32, #tpu.memory_space<hbm>> -> memref<1x200x256xf32, #tpu.memory_space<hbm>>
      %dma_start3A_48 = tpu.memref_squeeze %dma_start3A_47 : memref<1x200x256xf32, #tpu.memory_space<hbm>> -> memref<200x256xf32, #tpu.memory_space<hbm>>
      tpu.enqueue_dma source(%arg5 : memref<200x256xf32, #tpu.memory_space<vmem>>) target(%dma_start3A_48 : memref<200x256xf32, #tpu.memory_space<hbm>>) target_semaphore(%run_scoped3A : memref<!tpu.dma_semaphore, #tpu.memory_space<semaphore_mem>>)
      %dma_wait3A_49 = arith.constant 0 : i32
      %dma_wait3A_50 = arith.constant 0 : i32
      %dma_wait3A_51 = tpu.memref_slice %arg3[%add3A, %dma_wait3A_49, %dma_wait3A_50] : memref<32x200x256xf32, #tpu.memory_space<hbm>> -> memref<1x200x256xf32, #tpu.memory_space<hbm>>
      %dma_wait3A_52 = tpu.memref_squeeze %dma_wait3A_51 : memref<1x200x256xf32, #tpu.memory_space<hbm>> -> memref<200x256xf32, #tpu.memory_space<hbm>>
      %dma_wait3A_53 = arith.constant 0 : i32
      %dma_wait3A_54 = arith.constant 0 : i32
      %dma_wait3A_55 = tpu.memref_slice %arg3[%add3A, %dma_wait3A_53, %dma_wait3A_54] : memref<32x200x256xf32, #tpu.memory_space<hbm>> -> memref<1x200x256xf32, #tpu.memory_space<hbm>>
      %dma_wait3A_56 = tpu.memref_squeeze %dma_wait3A_55 : memref<1x200x256xf32, #tpu.memory_space<hbm>> -> memref<200x256xf32, #tpu.memory_space<hbm>>
      tpu.wait_dma2 semaphore(%run_scoped3A : memref<!tpu.dma_semaphore, #tpu.memory_space<semaphore_mem>>) src(%arg5 : memref<200x256xf32, #tpu.memory_space<vmem>>) dst(%dma_wait3A_56 : memref<200x256xf32, #tpu.memory_space<hbm>>)
      tpu.yield
    }) : () -> ()
    return
  }
}

module attributes {stable_mosaic.version = 14 : i64} {
  func.func @body(%arg0: i32, %arg1: memref<4x4x200x128xf32, #tpu.memory_space<vmem>>, %arg2: memref<4x200x256xf32, #tpu.memory_space<vmem>>, %arg3: memref<128x256xf32, #tpu.memory_space<vmem>>, %arg4: memref<1x128xf32, #tpu.memory_space<vmem>>, %arg5: memref<128x256xf32, #tpu.memory_space<vmem>>, %arg6: memref<1x128xf32, #tpu.memory_space<vmem>>, %arg7: memref<4x4x128xf32, #tpu.memory_space<vmem>>) attributes {dimension_semantics = [#tpu.dimension_semantics<arbitrary>], iteration_bounds = array<i64: 8>, scalar_prefetch = 0 : i64, scratch_operands = 0 : i64, tpu.core_type = #tpu.core_type<tc>, window_params = [{transform_indices = @transform_0, window_bounds = array<i64: 4, 4, 200, 128>}, {transform_indices = @transform_1, window_bounds = array<i64: 4, 200, 256>}, {pipeline_mode = #tpu.pipeline_mode<synchronous>, transform_indices = @transform_2, window_bounds = array<i64: 128, 256>}, {pipeline_mode = #tpu.pipeline_mode<synchronous>, transform_indices = @transform_3, window_bounds = array<i64: 1, 128>}, {pipeline_mode = #tpu.pipeline_mode<synchronous>, transform_indices = @transform_4, window_bounds = array<i64: 128, 256>}, {pipeline_mode = #tpu.pipeline_mode<synchronous>, transform_indices = @transform_5, window_bounds = array<i64: 1, 128>}, {transform_indices = @transform_6, window_bounds = array<i64: 4, 4, 128>}]} {
    %broadcast_in_dim3A = arith.constant 0.000000e+00 : f32
    %broadcast_in_dim3A_0 = vector.broadcast %broadcast_in_dim3A : f32 to vector<56x128xf32>
    %get3A = arith.constant 0 : index
    %get3A_1 = arith.constant 0 : index
    %get3A_2 = vector.load %arg3[%get3A, %get3A_1] : memref<128x256xf32, #tpu.memory_space<vmem>>, vector<128x256xf32>
    %get3A_3 = arith.constant 0 : index
    %get3A_4 = arith.constant 0 : index
    %get3A_5 = vector.load %arg5[%get3A_3, %get3A_4] : memref<128x256xf32, #tpu.memory_space<vmem>>, vector<128x256xf32>
    %get3A_6 = arith.constant 0 : index
    %get3A_7 = arith.constant 0 : index
    %get3A_8 = vector.load %arg4[%get3A_6, %get3A_7] : memref<1x128xf32, #tpu.memory_space<vmem>>, vector<1x128xf32>
    %get3A_9 = arith.constant 0 : index
    %get3A_10 = arith.constant 0 : index
    %get3A_11 = vector.load %arg6[%get3A_9, %get3A_10] : memref<1x128xf32, #tpu.memory_space<vmem>>, vector<1x128xf32>
    %iota3A = tpu.iota {dimensions = array<i32: 0>} : vector<4x800xi32>
    %iota3A_12 = tpu.iota {dimensions = array<i32: 1>} : vector<4x800xi32>
    %jit3A = arith.constant 200 : i32
    %div3A = vector.broadcast %jit3A : i32 to vector<4x800xi32>
    %div3A_13 = arith.divsi %iota3A_12, %div3A : vector<4x800xi32>
    %sign3A = arith.constant 0 : i32
    %sign3A_14 = vector.broadcast %sign3A : i32 to vector<4x800xi32>
    %sign3A_15 = arith.cmpi sgt, %iota3A_12, %sign3A_14 : vector<4x800xi32>
    %sign3A_16 = arith.extui %sign3A_15 : vector<4x800xi1> to vector<4x800xi32>
    %sign3A_17 = arith.constant 0 : i32
    %sign3A_18 = vector.broadcast %sign3A_17 : i32 to vector<4x800xi32>
    %sign3A_19 = arith.cmpi slt, %iota3A_12, %sign3A_18 : vector<4x800xi32>
    %sign3A_20 = arith.extui %sign3A_19 : vector<4x800xi1> to vector<4x800xi32>
    %sign3A_21 = arith.subi %sign3A_16, %sign3A_20 : vector<4x800xi32>
    %sign3A_22 = arith.constant 0 : i32
    %sign3A_23 = arith.cmpi sgt, %jit3A, %sign3A_22 : i32
    %sign3A_24 = arith.extui %sign3A_23 : i1 to i32
    %sign3A_25 = arith.constant 0 : i32
    %sign3A_26 = arith.cmpi slt, %jit3A, %sign3A_25 : i32
    %sign3A_27 = arith.extui %sign3A_26 : i1 to i32
    %sign3A_28 = arith.subi %sign3A_24, %sign3A_27 : i32
    %ne3A = vector.broadcast %sign3A_28 : i32 to vector<4x800xi32>
    %ne3A_29 = arith.cmpi ne, %sign3A_21, %ne3A : vector<4x800xi32>
    %rem3A = vector.broadcast %jit3A : i32 to vector<4x800xi32>
    %rem3A_30 = arith.remsi %iota3A_12, %rem3A : vector<4x800xi32>
    %ne3A_31 = arith.constant 0 : i32
    %ne3A_32 = vector.broadcast %ne3A_31 : i32 to vector<4x800xi32>
    %ne3A_33 = arith.cmpi ne, %rem3A_30, %ne3A_32 : vector<4x800xi32>
    %and3A = arith.andi %ne3A_29, %ne3A_33 : vector<4x800xi1>
    %sub3A = arith.constant 1 : i32
    %sub3A_34 = vector.broadcast %sub3A : i32 to vector<4x800xi32>
    %sub3A_35 = arith.subi %div3A_13, %sub3A_34 : vector<4x800xi32>
    %select_n3A = arith.select %and3A, %sub3A_35, %div3A_13 : vector<4x800xi1>, vector<4x800xi32>
    %eq3A = arith.cmpi eq, %select_n3A, %iota3A : vector<4x800xi32>
    %jit3A_36 = arith.constant 1.000000e+00 : f32
    %jit3A_37 = arith.constant 0.000000e+00 : f32
    %broadcast_in_dim3A_38 = vector.broadcast %jit3A_36 : f32 to vector<4x800xf32>
    %broadcast_in_dim3A_39 = vector.broadcast %jit3A_37 : f32 to vector<4x800xf32>
    %select_n3A_40 = arith.select %eq3A, %broadcast_in_dim3A_38, %broadcast_in_dim3A_39 : vector<4x800xi1>, vector<4x800xf32>
    %get3A_41 = arith.constant 0 : index
    %get3A_42 = arith.constant 0 : index
    %get3A_43 = arith.constant 0 : index
    %get3A_44 = vector.load %arg2[%get3A_41, %get3A_42, %get3A_43] : memref<4x200x256xf32, #tpu.memory_space<vmem>>, vector<1x200x256xf32>
    %get3A_45 = vector.shape_cast %get3A_44 : vector<1x200x256xf32> to vector<200x256xf32>
    %reduce_sum3A = arith.constant dense<0.000000e+00> : vector<200xf32>
    %reduce_sum3A_46 = vector.multi_reduction <add>, %get3A_45, %reduce_sum3A [1] : vector<200x256xf32> to vector<200xf32>
    %broadcast_in_dim3A_47 = vector.shape_cast %reduce_sum3A_46 : vector<200xf32> to vector<200x1xf32>
    %max3A = arith.constant 1.000000e+00 : f32
    %max3A_48 = vector.broadcast %max3A : f32 to vector<200x1xf32>
    %max3A_49 = arith.maximumf %broadcast_in_dim3A_47, %max3A_48 : vector<200x1xf32>
    %div3A_50 = arith.constant 1.000000e+00 : f32
    %div3A_51 = vector.broadcast %div3A_50 : f32 to vector<200x1xf32>
    %div3A_52 = arith.divf %div3A_51, %max3A_49 : vector<200x1xf32>
    %get3A_53 = arith.constant 0 : index
    %get3A_54 = arith.constant 0 : index
    %get3A_55 = arith.constant 0 : index
    %get3A_56 = arith.constant 0 : index
    %get3A_57 = vector.load %arg1[%get3A_53, %get3A_54, %get3A_55, %get3A_56] : memref<4x4x200x128xf32, #tpu.memory_space<vmem>>, vector<4x1x200x128xf32>
    %get3A_58 = vector.shape_cast %get3A_57 : vector<4x1x200x128xf32> to vector<4x200x128xf32>
    %reshape3A = vector.shape_cast %get3A_58 : vector<4x200x128xf32> to vector<800x128xf32>
    %convert_element_type3A = arith.truncf %reshape3A : vector<800x128xf32> to vector<800x128xbf16>
    %convert_element_type3A_59 = arith.truncf %get3A_2 : vector<128x256xf32> to vector<128x256xbf16>
    %dot_general3A = arith.constant dense<0.000000e+00> : vector<800x256xf32>
    %dot_general3A_60 = tpu.matmul %convert_element_type3A, %convert_element_type3A_59, %dot_general3A {dimension_numbers = #tpu.dot_dimension_numbers<[1], [0], [0], [1], [0, 0, 1, 1], [], []>, transpose_lhs_hint = false} : vector<800x128xbf16>, vector<128x256xbf16>, vector<800x256xf32> -> vector<800x256xf32>
    %slice3A = vector.extract_strided_slice %dot_general3A_60 {offsets = [0, 0], sizes = [800, 128], strides = [1, 1]} : vector<800x256xf32> to vector<800x128xf32>
    %slice3A_61 = vector.extract_strided_slice %dot_general3A_60 {offsets = [0, 128], sizes = [800, 128], strides = [1, 1]} : vector<800x256xf32> to vector<800x128xf32>
    %add3A = vector.broadcast %get3A_8 : vector<1x128xf32> to vector<800x128xf32>
    %add3A_62 = arith.addf %slice3A_61, %add3A : vector<800x128xf32>
    %slice3A_63 = vector.extract_strided_slice %slice3A {offsets = [0, 0], sizes = [200, 128], strides = [1, 1]} : vector<800x128xf32> to vector<200x128xf32>
    %concatenate3A = tpu.concatenate %slice3A_63, %broadcast_in_dim3A_0 in 0 : vector<200x128xf32>, vector<56x128xf32> -> vector<256x128xf32>
    %convert_element_type3A_64 = arith.truncf %get3A_45 : vector<200x256xf32> to vector<200x256xbf16>
    %convert_element_type3A_65 = arith.truncf %concatenate3A : vector<256x128xf32> to vector<256x128xbf16>
    %dot_general3A_66 = arith.constant dense<0.000000e+00> : vector<200x128xf32>
    %dot_general3A_67 = tpu.matmul %convert_element_type3A_64, %convert_element_type3A_65, %dot_general3A_66 {dimension_numbers = #tpu.dot_dimension_numbers<[1], [0], [0], [1], [0, 0, 1, 1], [], []>, transpose_lhs_hint = false} : vector<200x256xbf16>, vector<256x128xbf16>, vector<200x128xf32> -> vector<200x128xf32>
    %mul3A = vector.broadcast %div3A_52 : vector<200x1xf32> to vector<200x128xf32>
    %mul3A_68 = arith.mulf %dot_general3A_67, %mul3A : vector<200x128xf32>
    %slice3A_69 = vector.extract_strided_slice %slice3A {offsets = [200, 0], sizes = [200, 128], strides = [1, 1]} : vector<800x128xf32> to vector<200x128xf32>
    %concatenate3A_70 = tpu.concatenate %slice3A_69, %broadcast_in_dim3A_0 in 0 : vector<200x128xf32>, vector<56x128xf32> -> vector<256x128xf32>
    %convert_element_type3A_71 = arith.truncf %get3A_45 : vector<200x256xf32> to vector<200x256xbf16>
    %convert_element_type3A_72 = arith.truncf %concatenate3A_70 : vector<256x128xf32> to vector<256x128xbf16>
    %dot_general3A_73 = arith.constant dense<0.000000e+00> : vector<200x128xf32>
    %dot_general3A_74 = tpu.matmul %convert_element_type3A_71, %convert_element_type3A_72, %dot_general3A_73 {dimension_numbers = #tpu.dot_dimension_numbers<[1], [0], [0], [1], [0, 0, 1, 1], [], []>, transpose_lhs_hint = false} : vector<200x256xbf16>, vector<256x128xbf16>, vector<200x128xf32> -> vector<200x128xf32>
    %mul3A_75 = vector.broadcast %div3A_52 : vector<200x1xf32> to vector<200x128xf32>
    %mul3A_76 = arith.mulf %dot_general3A_74, %mul3A_75 : vector<200x128xf32>
    %slice3A_77 = vector.extract_strided_slice %slice3A {offsets = [400, 0], sizes = [200, 128], strides = [1, 1]} : vector<800x128xf32> to vector<200x128xf32>
    %concatenate3A_78 = tpu.concatenate %slice3A_77, %broadcast_in_dim3A_0 in 0 : vector<200x128xf32>, vector<56x128xf32> -> vector<256x128xf32>
    %convert_element_type3A_79 = arith.truncf %get3A_45 : vector<200x256xf32> to vector<200x256xbf16>
    %convert_element_type3A_80 = arith.truncf %concatenate3A_78 : vector<256x128xf32> to vector<256x128xbf16>
    %dot_general3A_81 = arith.constant dense<0.000000e+00> : vector<200x128xf32>
    %dot_general3A_82 = tpu.matmul %convert_element_type3A_79, %convert_element_type3A_80, %dot_general3A_81 {dimension_numbers = #tpu.dot_dimension_numbers<[1], [0], [0], [1], [0, 0, 1, 1], [], []>, transpose_lhs_hint = false} : vector<200x256xbf16>, vector<256x128xbf16>, vector<200x128xf32> -> vector<200x128xf32>
    %mul3A_83 = vector.broadcast %div3A_52 : vector<200x1xf32> to vector<200x128xf32>
    %mul3A_84 = arith.mulf %dot_general3A_82, %mul3A_83 : vector<200x128xf32>
    %slice3A_85 = vector.extract_strided_slice %slice3A {offsets = [600, 0], sizes = [200, 128], strides = [1, 1]} : vector<800x128xf32> to vector<200x128xf32>
    %concatenate3A_86 = tpu.concatenate %slice3A_85, %broadcast_in_dim3A_0 in 0 : vector<200x128xf32>, vector<56x128xf32> -> vector<256x128xf32>
    %convert_element_type3A_87 = arith.truncf %get3A_45 : vector<200x256xf32> to vector<200x256xbf16>
    %convert_element_type3A_88 = arith.truncf %concatenate3A_86 : vector<256x128xf32> to vector<256x128xbf16>
    %dot_general3A_89 = arith.constant dense<0.000000e+00> : vector<200x128xf32>
    %dot_general3A_90 = tpu.matmul %convert_element_type3A_87, %convert_element_type3A_88, %dot_general3A_89 {dimension_numbers = #tpu.dot_dimension_numbers<[1], [0], [0], [1], [0, 0, 1, 1], [], []>, transpose_lhs_hint = false} : vector<200x256xbf16>, vector<256x128xbf16>, vector<200x128xf32> -> vector<200x128xf32>
    %mul3A_91 = vector.broadcast %div3A_52 : vector<200x1xf32> to vector<200x128xf32>
    %mul3A_92 = arith.mulf %dot_general3A_90, %mul3A_91 : vector<200x128xf32>
    %concatenate3A_93 = tpu.concatenate %mul3A_68, %mul3A_76, %mul3A_84, %mul3A_92 in 0 : vector<200x128xf32>, vector<200x128xf32>, vector<200x128xf32>, vector<200x128xf32> -> vector<800x128xf32>
    %add3A_94 = arith.addf %concatenate3A_93, %add3A_62 : vector<800x128xf32>
    %integer_pow3A = arith.mulf %add3A_94, %add3A_94 : vector<800x128xf32>
    %integer_pow3A_95 = arith.mulf %add3A_94, %integer_pow3A : vector<800x128xf32>
    %mul3A_96 = arith.constant 4.471500e-02 : f32
    %mul3A_97 = vector.broadcast %mul3A_96 : f32 to vector<800x128xf32>
    %mul3A_98 = arith.mulf %mul3A_97, %integer_pow3A_95 : vector<800x128xf32>
    %add3A_99 = arith.addf %add3A_94, %mul3A_98 : vector<800x128xf32>
    %mul3A_100 = arith.constant 0.797884583 : f32
    %mul3A_101 = vector.broadcast %mul3A_100 : f32 to vector<800x128xf32>
    %mul3A_102 = arith.mulf %mul3A_101, %add3A_99 : vector<800x128xf32>
    %tanh3A = math.tanh %mul3A_102 : vector<800x128xf32>
    %add3A_103 = arith.constant 1.000000e+00 : f32
    %add3A_104 = vector.broadcast %add3A_103 : f32 to vector<800x128xf32>
    %add3A_105 = arith.addf %add3A_104, %tanh3A : vector<800x128xf32>
    %mul3A_106 = arith.constant 5.000000e-01 : f32
    %mul3A_107 = vector.broadcast %mul3A_106 : f32 to vector<800x128xf32>
    %mul3A_108 = arith.mulf %mul3A_107, %add3A_105 : vector<800x128xf32>
    %mul3A_109 = arith.mulf %add3A_94, %mul3A_108 : vector<800x128xf32>
    %convert_element_type3A_110 = arith.truncf %mul3A_109 : vector<800x128xf32> to vector<800x128xbf16>
    %convert_element_type3A_111 = arith.truncf %get3A_5 : vector<128x256xf32> to vector<128x256xbf16>
    %dot_general3A_112 = arith.constant dense<0.000000e+00> : vector<800x256xf32>
    %dot_general3A_113 = tpu.matmul %convert_element_type3A_110, %convert_element_type3A_111, %dot_general3A_112 {dimension_numbers = #tpu.dot_dimension_numbers<[1], [0], [0], [1], [0, 0, 1, 1], [], []>, transpose_lhs_hint = false} : vector<800x128xbf16>, vector<128x256xbf16>, vector<800x256xf32> -> vector<800x256xf32>
    %slice3A_114 = vector.extract_strided_slice %dot_general3A_113 {offsets = [0, 0], sizes = [800, 128], strides = [1, 1]} : vector<800x256xf32> to vector<800x128xf32>
    %slice3A_115 = vector.extract_strided_slice %dot_general3A_113 {offsets = [0, 128], sizes = [800, 128], strides = [1, 1]} : vector<800x256xf32> to vector<800x128xf32>
    %add3A_116 = vector.broadcast %get3A_11 : vector<1x128xf32> to vector<800x128xf32>
    %add3A_117 = arith.addf %slice3A_115, %add3A_116 : vector<800x128xf32>
    %slice3A_118 = vector.extract_strided_slice %slice3A_114 {offsets = [0, 0], sizes = [200, 128], strides = [1, 1]} : vector<800x128xf32> to vector<200x128xf32>
    %concatenate3A_119 = tpu.concatenate %slice3A_118, %broadcast_in_dim3A_0 in 0 : vector<200x128xf32>, vector<56x128xf32> -> vector<256x128xf32>
    %convert_element_type3A_120 = arith.truncf %get3A_45 : vector<200x256xf32> to vector<200x256xbf16>
    %convert_element_type3A_121 = arith.truncf %concatenate3A_119 : vector<256x128xf32> to vector<256x128xbf16>
    %dot_general3A_122 = arith.constant dense<0.000000e+00> : vector<200x128xf32>
    %dot_general3A_123 = tpu.matmul %convert_element_type3A_120, %convert_element_type3A_121, %dot_general3A_122 {dimension_numbers = #tpu.dot_dimension_numbers<[1], [0], [0], [1], [0, 0, 1, 1], [], []>, transpose_lhs_hint = false} : vector<200x256xbf16>, vector<256x128xbf16>, vector<200x128xf32> -> vector<200x128xf32>
    %mul3A_124 = vector.broadcast %div3A_52 : vector<200x1xf32> to vector<200x128xf32>
    %mul3A_125 = arith.mulf %dot_general3A_123, %mul3A_124 : vector<200x128xf32>
    %slice3A_126 = vector.extract_strided_slice %slice3A_114 {offsets = [200, 0], sizes = [200, 128], strides = [1, 1]} : vector<800x128xf32> to vector<200x128xf32>
    %concatenate3A_127 = tpu.concatenate %slice3A_126, %broadcast_in_dim3A_0 in 0 : vector<200x128xf32>, vector<56x128xf32> -> vector<256x128xf32>
    %convert_element_type3A_128 = arith.truncf %get3A_45 : vector<200x256xf32> to vector<200x256xbf16>
    %convert_element_type3A_129 = arith.truncf %concatenate3A_127 : vector<256x128xf32> to vector<256x128xbf16>
    %dot_general3A_130 = arith.constant dense<0.000000e+00> : vector<200x128xf32>
    %dot_general3A_131 = tpu.matmul %convert_element_type3A_128, %convert_element_type3A_129, %dot_general3A_130 {dimension_numbers = #tpu.dot_dimension_numbers<[1], [0], [0], [1], [0, 0, 1, 1], [], []>, transpose_lhs_hint = false} : vector<200x256xbf16>, vector<256x128xbf16>, vector<200x128xf32> -> vector<200x128xf32>
    %mul3A_132 = vector.broadcast %div3A_52 : vector<200x1xf32> to vector<200x128xf32>
    %mul3A_133 = arith.mulf %dot_general3A_131, %mul3A_132 : vector<200x128xf32>
    %slice3A_134 = vector.extract_strided_slice %slice3A_114 {offsets = [400, 0], sizes = [200, 128], strides = [1, 1]} : vector<800x128xf32> to vector<200x128xf32>
    %concatenate3A_135 = tpu.concatenate %slice3A_134, %broadcast_in_dim3A_0 in 0 : vector<200x128xf32>, vector<56x128xf32> -> vector<256x128xf32>
    %convert_element_type3A_136 = arith.truncf %get3A_45 : vector<200x256xf32> to vector<200x256xbf16>
    %convert_element_type3A_137 = arith.truncf %concatenate3A_135 : vector<256x128xf32> to vector<256x128xbf16>
    %dot_general3A_138 = arith.constant dense<0.000000e+00> : vector<200x128xf32>
    %dot_general3A_139 = tpu.matmul %convert_element_type3A_136, %convert_element_type3A_137, %dot_general3A_138 {dimension_numbers = #tpu.dot_dimension_numbers<[1], [0], [0], [1], [0, 0, 1, 1], [], []>, transpose_lhs_hint = false} : vector<200x256xbf16>, vector<256x128xbf16>, vector<200x128xf32> -> vector<200x128xf32>
    %mul3A_140 = vector.broadcast %div3A_52 : vector<200x1xf32> to vector<200x128xf32>
    %mul3A_141 = arith.mulf %dot_general3A_139, %mul3A_140 : vector<200x128xf32>
    %slice3A_142 = vector.extract_strided_slice %slice3A_114 {offsets = [600, 0], sizes = [200, 128], strides = [1, 1]} : vector<800x128xf32> to vector<200x128xf32>
    %concatenate3A_143 = tpu.concatenate %slice3A_142, %broadcast_in_dim3A_0 in 0 : vector<200x128xf32>, vector<56x128xf32> -> vector<256x128xf32>
    %convert_element_type3A_144 = arith.truncf %get3A_45 : vector<200x256xf32> to vector<200x256xbf16>
    %convert_element_type3A_145 = arith.truncf %concatenate3A_143 : vector<256x128xf32> to vector<256x128xbf16>
    %dot_general3A_146 = arith.constant dense<0.000000e+00> : vector<200x128xf32>
    %dot_general3A_147 = tpu.matmul %convert_element_type3A_144, %convert_element_type3A_145, %dot_general3A_146 {dimension_numbers = #tpu.dot_dimension_numbers<[1], [0], [0], [1], [0, 0, 1, 1], [], []>, transpose_lhs_hint = false} : vector<200x256xbf16>, vector<256x128xbf16>, vector<200x128xf32> -> vector<200x128xf32>
    %mul3A_148 = vector.broadcast %div3A_52 : vector<200x1xf32> to vector<200x128xf32>
    %mul3A_149 = arith.mulf %dot_general3A_147, %mul3A_148 : vector<200x128xf32>
    %concatenate3A_150 = tpu.concatenate %mul3A_125, %mul3A_133, %mul3A_141, %mul3A_149 in 0 : vector<200x128xf32>, vector<200x128xf32>, vector<200x128xf32>, vector<200x128xf32> -> vector<800x128xf32>
    %add3A_151 = arith.addf %concatenate3A_150, %add3A_117 : vector<800x128xf32>
    %convert_element_type3A_152 = arith.truncf %select_n3A_40 : vector<4x800xf32> to vector<4x800xbf16>
    %convert_element_type3A_153 = arith.truncf %add3A_151 : vector<800x128xf32> to vector<800x128xbf16>
    %dot_general3A_154 = arith.constant dense<0.000000e+00> : vector<4x128xf32>
    %dot_general3A_155 = tpu.matmul %convert_element_type3A_152, %convert_element_type3A_153, %dot_general3A_154 {dimension_numbers = #tpu.dot_dimension_numbers<[1], [0], [0], [1], [0, 0, 1, 1], [], []>, transpose_lhs_hint = false} : vector<4x800xbf16>, vector<800x128xbf16>, vector<4x128xf32> -> vector<4x128xf32>
    %mul3A_156 = arith.constant 5.000000e-03 : f32
    %mul3A_157 = vector.broadcast %mul3A_156 : f32 to vector<4x128xf32>
    %mul3A_158 = arith.mulf %dot_general3A_155, %mul3A_157 : vector<4x128xf32>
    %swap3A = arith.constant 0 : index
    %swap3A_159 = arith.constant 0 : index
    %swap3A_160 = arith.constant 0 : index
    %swap3A_161 = vector.load %arg7[%swap3A, %swap3A_159, %swap3A_160] : memref<4x4x128xf32, #tpu.memory_space<vmem>>, vector<1x4x128xf32>
    %swap3A_162 = vector.shape_cast %swap3A_161 : vector<1x4x128xf32> to vector<4x128xf32>
    %swap3A_163 = vector.shape_cast %mul3A_158 : vector<4x128xf32> to vector<1x4x128xf32>
    tpu.vector_store %arg7[%swap3A, %swap3A_159, %swap3A_160], %swap3A_163 {strides = array<i32>} : memref<4x4x128xf32, #tpu.memory_space<vmem>>, vector<1x4x128xf32>,
    %get3A_164 = arith.constant 1 : index
    %get3A_165 = arith.constant 0 : index
    %get3A_166 = arith.constant 0 : index
    %get3A_167 = vector.load %arg2[%get3A_164, %get3A_165, %get3A_166] : memref<4x200x256xf32, #tpu.memory_space<vmem>>, vector<1x200x256xf32>
    %get3A_168 = vector.shape_cast %get3A_167 : vector<1x200x256xf32> to vector<200x256xf32>
    %reduce_sum3A_169 = arith.constant dense<0.000000e+00> : vector<200xf32>
    %reduce_sum3A_170 = vector.multi_reduction <add>, %get3A_168, %reduce_sum3A_169 [1] : vector<200x256xf32> to vector<200xf32>
    %broadcast_in_dim3A_171 = vector.shape_cast %reduce_sum3A_170 : vector<200xf32> to vector<200x1xf32>
    %max3A_172 = arith.constant 1.000000e+00 : f32
    %max3A_173 = vector.broadcast %max3A_172 : f32 to vector<200x1xf32>
    %max3A_174 = arith.maximumf %broadcast_in_dim3A_171, %max3A_173 : vector<200x1xf32>
    %div3A_175 = arith.constant 1.000000e+00 : f32
    %div3A_176 = vector.broadcast %div3A_175 : f32 to vector<200x1xf32>
    %div3A_177 = arith.divf %div3A_176, %max3A_174 : vector<200x1xf32>
    %get3A_178 = arith.constant 0 : index
    %get3A_179 = arith.constant 1 : index
    %get3A_180 = arith.constant 0 : index
    %get3A_181 = arith.constant 0 : index
    %get3A_182 = vector.load %arg1[%get3A_178, %get3A_179, %get3A_180, %get3A_181] : memref<4x4x200x128xf32, #tpu.memory_space<vmem>>, vector<4x1x200x128xf32>
    %get3A_183 = vector.shape_cast %get3A_182 : vector<4x1x200x128xf32> to vector<4x200x128xf32>
    %reshape3A_184 = vector.shape_cast %get3A_183 : vector<4x200x128xf32> to vector<800x128xf32>
    %convert_element_type3A_185 = arith.truncf %reshape3A_184 : vector<800x128xf32> to vector<800x128xbf16>
    %convert_element_type3A_186 = arith.truncf %get3A_2 : vector<128x256xf32> to vector<128x256xbf16>
    %dot_general3A_187 = arith.constant dense<0.000000e+00> : vector<800x256xf32>
    %dot_general3A_188 = tpu.matmul %convert_element_type3A_185, %convert_element_type3A_186, %dot_general3A_187 {dimension_numbers = #tpu.dot_dimension_numbers<[1], [0], [0], [1], [0, 0, 1, 1], [], []>, transpose_lhs_hint = false} : vector<800x128xbf16>, vector<128x256xbf16>, vector<800x256xf32> -> vector<800x256xf32>
    %slice3A_189 = vector.extract_strided_slice %dot_general3A_188 {offsets = [0, 0], sizes = [800, 128], strides = [1, 1]} : vector<800x256xf32> to vector<800x128xf32>
    %slice3A_190 = vector.extract_strided_slice %dot_general3A_188 {offsets = [0, 128], sizes = [800, 128], strides = [1, 1]} : vector<800x256xf32> to vector<800x128xf32>
    %add3A_191 = vector.broadcast %get3A_8 : vector<1x128xf32> to vector<800x128xf32>
    %add3A_192 = arith.addf %slice3A_190, %add3A_191 : vector<800x128xf32>
    %slice3A_193 = vector.extract_strided_slice %slice3A_189 {offsets = [0, 0], sizes = [200, 128], strides = [1, 1]} : vector<800x128xf32> to vector<200x128xf32>
    %concatenate3A_194 = tpu.concatenate %slice3A_193, %broadcast_in_dim3A_0 in 0 : vector<200x128xf32>, vector<56x128xf32> -> vector<256x128xf32>
    %convert_element_type3A_195 = arith.truncf %get3A_168 : vector<200x256xf32> to vector<200x256xbf16>
    %convert_element_type3A_196 = arith.truncf %concatenate3A_194 : vector<256x128xf32> to vector<256x128xbf16>
    %dot_general3A_197 = arith.constant dense<0.000000e+00> : vector<200x128xf32>
    %dot_general3A_198 = tpu.matmul %convert_element_type3A_195, %convert_element_type3A_196, %dot_general3A_197 {dimension_numbers = #tpu.dot_dimension_numbers<[1], [0], [0], [1], [0, 0, 1, 1], [], []>, transpose_lhs_hint = false} : vector<200x256xbf16>, vector<256x128xbf16>, vector<200x128xf32> -> vector<200x128xf32>
    %mul3A_199 = vector.broadcast %div3A_177 : vector<200x1xf32> to vector<200x128xf32>
    %mul3A_200 = arith.mulf %dot_general3A_198, %mul3A_199 : vector<200x128xf32>
    %slice3A_201 = vector.extract_strided_slice %slice3A_189 {offsets = [200, 0], sizes = [200, 128], strides = [1, 1]} : vector<800x128xf32> to vector<200x128xf32>
    %concatenate3A_202 = tpu.concatenate %slice3A_201, %broadcast_in_dim3A_0 in 0 : vector<200x128xf32>, vector<56x128xf32> -> vector<256x128xf32>
    %convert_element_type3A_203 = arith.truncf %get3A_168 : vector<200x256xf32> to vector<200x256xbf16>
    %convert_element_type3A_204 = arith.truncf %concatenate3A_202 : vector<256x128xf32> to vector<256x128xbf16>
    %dot_general3A_205 = arith.constant dense<0.000000e+00> : vector<200x128xf32>
    %dot_general3A_206 = tpu.matmul %convert_element_type3A_203, %convert_element_type3A_204, %dot_general3A_205 {dimension_numbers = #tpu.dot_dimension_numbers<[1], [0], [0], [1], [0, 0, 1, 1], [], []>, transpose_lhs_hint = false} : vector<200x256xbf16>, vector<256x128xbf16>, vector<200x128xf32> -> vector<200x128xf32>
    %mul3A_207 = vector.broadcast %div3A_177 : vector<200x1xf32> to vector<200x128xf32>
    %mul3A_208 = arith.mulf %dot_general3A_206, %mul3A_207 : vector<200x128xf32>
    %slice3A_209 = vector.extract_strided_slice %slice3A_189 {offsets = [400, 0], sizes = [200, 128], strides = [1, 1]} : vector<800x128xf32> to vector<200x128xf32>
    %concatenate3A_210 = tpu.concatenate %slice3A_209, %broadcast_in_dim3A_0 in 0 : vector<200x128xf32>, vector<56x128xf32> -> vector<256x128xf32>
    %convert_element_type3A_211 = arith.truncf %get3A_168 : vector<200x256xf32> to vector<200x256xbf16>
    %convert_element_type3A_212 = arith.truncf %concatenate3A_210 : vector<256x128xf32> to vector<256x128xbf16>
    %dot_general3A_213 = arith.constant dense<0.000000e+00> : vector<200x128xf32>
    %dot_general3A_214 = tpu.matmul %convert_element_type3A_211, %convert_element_type3A_212, %dot_general3A_213 {dimension_numbers = #tpu.dot_dimension_numbers<[1], [0], [0], [1], [0, 0, 1, 1], [], []>, transpose_lhs_hint = false} : vector<200x256xbf16>, vector<256x128xbf16>, vector<200x128xf32> -> vector<200x128xf32>
    %mul3A_215 = vector.broadcast %div3A_177 : vector<200x1xf32> to vector<200x128xf32>
    %mul3A_216 = arith.mulf %dot_general3A_214, %mul3A_215 : vector<200x128xf32>
    %slice3A_217 = vector.extract_strided_slice %slice3A_189 {offsets = [600, 0], sizes = [200, 128], strides = [1, 1]} : vector<800x128xf32> to vector<200x128xf32>
    %concatenate3A_218 = tpu.concatenate %slice3A_217, %broadcast_in_dim3A_0 in 0 : vector<200x128xf32>, vector<56x128xf32> -> vector<256x128xf32>
    %convert_element_type3A_219 = arith.truncf %get3A_168 : vector<200x256xf32> to vector<200x256xbf16>
    %convert_element_type3A_220 = arith.truncf %concatenate3A_218 : vector<256x128xf32> to vector<256x128xbf16>
    %dot_general3A_221 = arith.constant dense<0.000000e+00> : vector<200x128xf32>
    %dot_general3A_222 = tpu.matmul %convert_element_type3A_219, %convert_element_type3A_220, %dot_general3A_221 {dimension_numbers = #tpu.dot_dimension_numbers<[1], [0], [0], [1], [0, 0, 1, 1], [], []>, transpose_lhs_hint = false} : vector<200x256xbf16>, vector<256x128xbf16>, vector<200x128xf32> -> vector<200x128xf32>
    %mul3A_223 = vector.broadcast %div3A_177 : vector<200x1xf32> to vector<200x128xf32>
    %mul3A_224 = arith.mulf %dot_general3A_222, %mul3A_223 : vector<200x128xf32>
    %concatenate3A_225 = tpu.concatenate %mul3A_200, %mul3A_208, %mul3A_216, %mul3A_224 in 0 : vector<200x128xf32>, vector<200x128xf32>, vector<200x128xf32>, vector<200x128xf32> -> vector<800x128xf32>
    %add3A_226 = arith.addf %concatenate3A_225, %add3A_192 : vector<800x128xf32>
    %integer_pow3A_227 = arith.mulf %add3A_226, %add3A_226 : vector<800x128xf32>
    %integer_pow3A_228 = arith.mulf %add3A_226, %integer_pow3A_227 : vector<800x128xf32>
    %mul3A_229 = arith.constant 4.471500e-02 : f32
    %mul3A_230 = vector.broadcast %mul3A_229 : f32 to vector<800x128xf32>
    %mul3A_231 = arith.mulf %mul3A_230, %integer_pow3A_228 : vector<800x128xf32>
    %add3A_232 = arith.addf %add3A_226, %mul3A_231 : vector<800x128xf32>
    %mul3A_233 = arith.constant 0.797884583 : f32
    %mul3A_234 = vector.broadcast %mul3A_233 : f32 to vector<800x128xf32>
    %mul3A_235 = arith.mulf %mul3A_234, %add3A_232 : vector<800x128xf32>
    %tanh3A_236 = math.tanh %mul3A_235 : vector<800x128xf32>
    %add3A_237 = arith.constant 1.000000e+00 : f32
    %add3A_238 = vector.broadcast %add3A_237 : f32 to vector<800x128xf32>
    %add3A_239 = arith.addf %add3A_238, %tanh3A_236 : vector<800x128xf32>
    %mul3A_240 = arith.constant 5.000000e-01 : f32
    %mul3A_241 = vector.broadcast %mul3A_240 : f32 to vector<800x128xf32>
    %mul3A_242 = arith.mulf %mul3A_241, %add3A_239 : vector<800x128xf32>
    %mul3A_243 = arith.mulf %add3A_226, %mul3A_242 : vector<800x128xf32>
    %convert_element_type3A_244 = arith.truncf %mul3A_243 : vector<800x128xf32> to vector<800x128xbf16>
    %convert_element_type3A_245 = arith.truncf %get3A_5 : vector<128x256xf32> to vector<128x256xbf16>
    %dot_general3A_246 = arith.constant dense<0.000000e+00> : vector<800x256xf32>
    %dot_general3A_247 = tpu.matmul %convert_element_type3A_244, %convert_element_type3A_245, %dot_general3A_246 {dimension_numbers = #tpu.dot_dimension_numbers<[1], [0], [0], [1], [0, 0, 1, 1], [], []>, transpose_lhs_hint = false} : vector<800x128xbf16>, vector<128x256xbf16>, vector<800x256xf32> -> vector<800x256xf32>
    %slice3A_248 = vector.extract_strided_slice %dot_general3A_247 {offsets = [0, 0], sizes = [800, 128], strides = [1, 1]} : vector<800x256xf32> to vector<800x128xf32>
    %slice3A_249 = vector.extract_strided_slice %dot_general3A_247 {offsets = [0, 128], sizes = [800, 128], strides = [1, 1]} : vector<800x256xf32> to vector<800x128xf32>
    %add3A_250 = vector.broadcast %get3A_11 : vector<1x128xf32> to vector<800x128xf32>
    %add3A_251 = arith.addf %slice3A_249, %add3A_250 : vector<800x128xf32>
    %slice3A_252 = vector.extract_strided_slice %slice3A_248 {offsets = [0, 0], sizes = [200, 128], strides = [1, 1]} : vector<800x128xf32> to vector<200x128xf32>
    %concatenate3A_253 = tpu.concatenate %slice3A_252, %broadcast_in_dim3A_0 in 0 : vector<200x128xf32>, vector<56x128xf32> -> vector<256x128xf32>
    %convert_element_type3A_254 = arith.truncf %get3A_168 : vector<200x256xf32> to vector<200x256xbf16>
    %convert_element_type3A_255 = arith.truncf %concatenate3A_253 : vector<256x128xf32> to vector<256x128xbf16>
    %dot_general3A_256 = arith.constant dense<0.000000e+00> : vector<200x128xf32>
    %dot_general3A_257 = tpu.matmul %convert_element_type3A_254, %convert_element_type3A_255, %dot_general3A_256 {dimension_numbers = #tpu.dot_dimension_numbers<[1], [0], [0], [1], [0, 0, 1, 1], [], []>, transpose_lhs_hint = false} : vector<200x256xbf16>, vector<256x128xbf16>, vector<200x128xf32> -> vector<200x128xf32>
    %mul3A_258 = vector.broadcast %div3A_177 : vector<200x1xf32> to vector<200x128xf32>
    %mul3A_259 = arith.mulf %dot_general3A_257, %mul3A_258 : vector<200x128xf32>
    %slice3A_260 = vector.extract_strided_slice %slice3A_248 {offsets = [200, 0], sizes = [200, 128], strides = [1, 1]} : vector<800x128xf32> to vector<200x128xf32>
    %concatenate3A_261 = tpu.concatenate %slice3A_260, %broadcast_in_dim3A_0 in 0 : vector<200x128xf32>, vector<56x128xf32> -> vector<256x128xf32>
    %convert_element_type3A_262 = arith.truncf %get3A_168 : vector<200x256xf32> to vector<200x256xbf16>
    %convert_element_type3A_263 = arith.truncf %concatenate3A_261 : vector<256x128xf32> to vector<256x128xbf16>
    %dot_general3A_264 = arith.constant dense<0.000000e+00> : vector<200x128xf32>
    %dot_general3A_265 = tpu.matmul %convert_element_type3A_262, %convert_element_type3A_263, %dot_general3A_264 {dimension_numbers = #tpu.dot_dimension_numbers<[1], [0], [0], [1], [0, 0, 1, 1], [], []>, transpose_lhs_hint = false} : vector<200x256xbf16>, vector<256x128xbf16>, vector<200x128xf32> -> vector<200x128xf32>
    %mul3A_266 = vector.broadcast %div3A_177 : vector<200x1xf32> to vector<200x128xf32>
    %mul3A_267 = arith.mulf %dot_general3A_265, %mul3A_266 : vector<200x128xf32>
    %slice3A_268 = vector.extract_strided_slice %slice3A_248 {offsets = [400, 0], sizes = [200, 128], strides = [1, 1]} : vector<800x128xf32> to vector<200x128xf32>
    %concatenate3A_269 = tpu.concatenate %slice3A_268, %broadcast_in_dim3A_0 in 0 : vector<200x128xf32>, vector<56x128xf32> -> vector<256x128xf32>
    %convert_element_type3A_270 = arith.truncf %get3A_168 : vector<200x256xf32> to vector<200x256xbf16>
    %convert_element_type3A_271 = arith.truncf %concatenate3A_269 : vector<256x128xf32> to vector<256x128xbf16>
    %dot_general3A_272 = arith.constant dense<0.000000e+00> : vector<200x128xf32>
    %dot_general3A_273 = tpu.matmul %convert_element_type3A_270, %convert_element_type3A_271, %dot_general3A_272 {dimension_numbers = #tpu.dot_dimension_numbers<[1], [0], [0], [1], [0, 0, 1, 1], [], []>, transpose_lhs_hint = false} : vector<200x256xbf16>, vector<256x128xbf16>, vector<200x128xf32> -> vector<200x128xf32>
    %mul3A_274 = vector.broadcast %div3A_177 : vector<200x1xf32> to vector<200x128xf32>
    %mul3A_275 = arith.mulf %dot_general3A_273, %mul3A_274 : vector<200x128xf32>
    %slice3A_276 = vector.extract_strided_slice %slice3A_248 {offsets = [600, 0], sizes = [200, 128], strides = [1, 1]} : vector<800x128xf32> to vector<200x128xf32>
    %concatenate3A_277 = tpu.concatenate %slice3A_276, %broadcast_in_dim3A_0 in 0 : vector<200x128xf32>, vector<56x128xf32> -> vector<256x128xf32>
    %convert_element_type3A_278 = arith.truncf %get3A_168 : vector<200x256xf32> to vector<200x256xbf16>
    %convert_element_type3A_279 = arith.truncf %concatenate3A_277 : vector<256x128xf32> to vector<256x128xbf16>
    %dot_general3A_280 = arith.constant dense<0.000000e+00> : vector<200x128xf32>
    %dot_general3A_281 = tpu.matmul %convert_element_type3A_278, %convert_element_type3A_279, %dot_general3A_280 {dimension_numbers = #tpu.dot_dimension_numbers<[1], [0], [0], [1], [0, 0, 1, 1], [], []>, transpose_lhs_hint = false} : vector<200x256xbf16>, vector<256x128xbf16>, vector<200x128xf32> -> vector<200x128xf32>
    %mul3A_282 = vector.broadcast %div3A_177 : vector<200x1xf32> to vector<200x128xf32>
    %mul3A_283 = arith.mulf %dot_general3A_281, %mul3A_282 : vector<200x128xf32>
    %concatenate3A_284 = tpu.concatenate %mul3A_259, %mul3A_267, %mul3A_275, %mul3A_283 in 0 : vector<200x128xf32>, vector<200x128xf32>, vector<200x128xf32>, vector<200x128xf32> -> vector<800x128xf32>
    %add3A_285 = arith.addf %concatenate3A_284, %add3A_251 : vector<800x128xf32>
    %convert_element_type3A_286 = arith.truncf %select_n3A_40 : vector<4x800xf32> to vector<4x800xbf16>
    %convert_element_type3A_287 = arith.truncf %add3A_285 : vector<800x128xf32> to vector<800x128xbf16>
    %dot_general3A_288 = arith.constant dense<0.000000e+00> : vector<4x128xf32>
    %dot_general3A_289 = tpu.matmul %convert_element_type3A_286, %convert_element_type3A_287, %dot_general3A_288 {dimension_numbers = #tpu.dot_dimension_numbers<[1], [0], [0], [1], [0, 0, 1, 1], [], []>, transpose_lhs_hint = false} : vector<4x800xbf16>, vector<800x128xbf16>, vector<4x128xf32> -> vector<4x128xf32>
    %mul3A_290 = arith.constant 5.000000e-03 : f32
    %mul3A_291 = vector.broadcast %mul3A_290 : f32 to vector<4x128xf32>
    %mul3A_292 = arith.mulf %dot_general3A_289, %mul3A_291 : vector<4x128xf32>
    %swap3A_293 = arith.constant 1 : index
    %swap3A_294 = arith.constant 0 : index
    %swap3A_295 = arith.constant 0 : index
    %swap3A_296 = vector.load %arg7[%swap3A_293, %swap3A_294, %swap3A_295] : memref<4x4x128xf32, #tpu.memory_space<vmem>>, vector<1x4x128xf32>
    %swap3A_297 = vector.shape_cast %swap3A_296 : vector<1x4x128xf32> to vector<4x128xf32>
    %swap3A_298 = vector.shape_cast %mul3A_292 : vector<4x128xf32> to vector<1x4x128xf32>
    tpu.vector_store %arg7[%swap3A_293, %swap3A_294, %swap3A_295], %swap3A_298 {strides = array<i32>} : memref<4x4x128xf32, #tpu.memory_space<vmem>>, vector<1x4x128xf32>,
    %get3A_299 = arith.constant 2 : index
    %get3A_300 = arith.constant 0 : index
    %get3A_301 = arith.constant 0 : index
    %get3A_302 = vector.load %arg2[%get3A_299, %get3A_300, %get3A_301] : memref<4x200x256xf32, #tpu.memory_space<vmem>>, vector<1x200x256xf32>
    %get3A_303 = vector.shape_cast %get3A_302 : vector<1x200x256xf32> to vector<200x256xf32>
    %reduce_sum3A_304 = arith.constant dense<0.000000e+00> : vector<200xf32>
    %reduce_sum3A_305 = vector.multi_reduction <add>, %get3A_303, %reduce_sum3A_304 [1] : vector<200x256xf32> to vector<200xf32>
    %broadcast_in_dim3A_306 = vector.shape_cast %reduce_sum3A_305 : vector<200xf32> to vector<200x1xf32>
    %max3A_307 = arith.constant 1.000000e+00 : f32
    %max3A_308 = vector.broadcast %max3A_307 : f32 to vector<200x1xf32>
    %max3A_309 = arith.maximumf %broadcast_in_dim3A_306, %max3A_308 : vector<200x1xf32>
    %div3A_310 = arith.constant 1.000000e+00 : f32
    %div3A_311 = vector.broadcast %div3A_310 : f32 to vector<200x1xf32>
    %div3A_312 = arith.divf %div3A_311, %max3A_309 : vector<200x1xf32>
    %get3A_313 = arith.constant 0 : index
    %get3A_314 = arith.constant 2 : index
    %get3A_315 = arith.constant 0 : index
    %get3A_316 = arith.constant 0 : index
    %get3A_317 = vector.load %arg1[%get3A_313, %get3A_314, %get3A_315, %get3A_316] : memref<4x4x200x128xf32, #tpu.memory_space<vmem>>, vector<4x1x200x128xf32>
    %get3A_318 = vector.shape_cast %get3A_317 : vector<4x1x200x128xf32> to vector<4x200x128xf32>
    %reshape3A_319 = vector.shape_cast %get3A_318 : vector<4x200x128xf32> to vector<800x128xf32>
    %convert_element_type3A_320 = arith.truncf %reshape3A_319 : vector<800x128xf32> to vector<800x128xbf16>
    %convert_element_type3A_321 = arith.truncf %get3A_2 : vector<128x256xf32> to vector<128x256xbf16>
    %dot_general3A_322 = arith.constant dense<0.000000e+00> : vector<800x256xf32>
    %dot_general3A_323 = tpu.matmul %convert_element_type3A_320, %convert_element_type3A_321, %dot_general3A_322 {dimension_numbers = #tpu.dot_dimension_numbers<[1], [0], [0], [1], [0, 0, 1, 1], [], []>, transpose_lhs_hint = false} : vector<800x128xbf16>, vector<128x256xbf16>, vector<800x256xf32> -> vector<800x256xf32>
    %slice3A_324 = vector.extract_strided_slice %dot_general3A_323 {offsets = [0, 0], sizes = [800, 128], strides = [1, 1]} : vector<800x256xf32> to vector<800x128xf32>
    %slice3A_325 = vector.extract_strided_slice %dot_general3A_323 {offsets = [0, 128], sizes = [800, 128], strides = [1, 1]} : vector<800x256xf32> to vector<800x128xf32>
    %add3A_326 = vector.broadcast %get3A_8 : vector<1x128xf32> to vector<800x128xf32>
    %add3A_327 = arith.addf %slice3A_325, %add3A_326 : vector<800x128xf32>
    %slice3A_328 = vector.extract_strided_slice %slice3A_324 {offsets = [0, 0], sizes = [200, 128], strides = [1, 1]} : vector<800x128xf32> to vector<200x128xf32>
    %concatenate3A_329 = tpu.concatenate %slice3A_328, %broadcast_in_dim3A_0 in 0 : vector<200x128xf32>, vector<56x128xf32> -> vector<256x128xf32>
    %convert_element_type3A_330 = arith.truncf %get3A_303 : vector<200x256xf32> to vector<200x256xbf16>
    %convert_element_type3A_331 = arith.truncf %concatenate3A_329 : vector<256x128xf32> to vector<256x128xbf16>
    %dot_general3A_332 = arith.constant dense<0.000000e+00> : vector<200x128xf32>
    %dot_general3A_333 = tpu.matmul %convert_element_type3A_330, %convert_element_type3A_331, %dot_general3A_332 {dimension_numbers = #tpu.dot_dimension_numbers<[1], [0], [0], [1], [0, 0, 1, 1], [], []>, transpose_lhs_hint = false} : vector<200x256xbf16>, vector<256x128xbf16>, vector<200x128xf32> -> vector<200x128xf32>
    %mul3A_334 = vector.broadcast %div3A_312 : vector<200x1xf32> to vector<200x128xf32>
    %mul3A_335 = arith.mulf %dot_general3A_333, %mul3A_334 : vector<200x128xf32>
    %slice3A_336 = vector.extract_strided_slice %slice3A_324 {offsets = [200, 0], sizes = [200, 128], strides = [1, 1]} : vector<800x128xf32> to vector<200x128xf32>
    %concatenate3A_337 = tpu.concatenate %slice3A_336, %broadcast_in_dim3A_0 in 0 : vector<200x128xf32>, vector<56x128xf32> -> vector<256x128xf32>
    %convert_element_type3A_338 = arith.truncf %get3A_303 : vector<200x256xf32> to vector<200x256xbf16>
    %convert_element_type3A_339 = arith.truncf %concatenate3A_337 : vector<256x128xf32> to vector<256x128xbf16>
    %dot_general3A_340 = arith.constant dense<0.000000e+00> : vector<200x128xf32>
    %dot_general3A_341 = tpu.matmul %convert_element_type3A_338, %convert_element_type3A_339, %dot_general3A_340 {dimension_numbers = #tpu.dot_dimension_numbers<[1], [0], [0], [1], [0, 0, 1, 1], [], []>, transpose_lhs_hint = false} : vector<200x256xbf16>, vector<256x128xbf16>, vector<200x128xf32> -> vector<200x128xf32>
    %mul3A_342 = vector.broadcast %div3A_312 : vector<200x1xf32> to vector<200x128xf32>
    %mul3A_343 = arith.mulf %dot_general3A_341, %mul3A_342 : vector<200x128xf32>
    %slice3A_344 = vector.extract_strided_slice %slice3A_324 {offsets = [400, 0], sizes = [200, 128], strides = [1, 1]} : vector<800x128xf32> to vector<200x128xf32>
    %concatenate3A_345 = tpu.concatenate %slice3A_344, %broadcast_in_dim3A_0 in 0 : vector<200x128xf32>, vector<56x128xf32> -> vector<256x128xf32>
    %convert_element_type3A_346 = arith.truncf %get3A_303 : vector<200x256xf32> to vector<200x256xbf16>
    %convert_element_type3A_347 = arith.truncf %concatenate3A_345 : vector<256x128xf32> to vector<256x128xbf16>
    %dot_general3A_348 = arith.constant dense<0.000000e+00> : vector<200x128xf32>
    %dot_general3A_349 = tpu.matmul %convert_element_type3A_346, %convert_element_type3A_347, %dot_general3A_348 {dimension_numbers = #tpu.dot_dimension_numbers<[1], [0], [0], [1], [0, 0, 1, 1], [], []>, transpose_lhs_hint = false} : vector<200x256xbf16>, vector<256x128xbf16>, vector<200x128xf32> -> vector<200x128xf32>
    %mul3A_350 = vector.broadcast %div3A_312 : vector<200x1xf32> to vector<200x128xf32>
    %mul3A_351 = arith.mulf %dot_general3A_349, %mul3A_350 : vector<200x128xf32>
    %slice3A_352 = vector.extract_strided_slice %slice3A_324 {offsets = [600, 0], sizes = [200, 128], strides = [1, 1]} : vector<800x128xf32> to vector<200x128xf32>
    %concatenate3A_353 = tpu.concatenate %slice3A_352, %broadcast_in_dim3A_0 in 0 : vector<200x128xf32>, vector<56x128xf32> -> vector<256x128xf32>
    %convert_element_type3A_354 = arith.truncf %get3A_303 : vector<200x256xf32> to vector<200x256xbf16>
    %convert_element_type3A_355 = arith.truncf %concatenate3A_353 : vector<256x128xf32> to vector<256x128xbf16>
    %dot_general3A_356 = arith.constant dense<0.000000e+00> : vector<200x128xf32>
    %dot_general3A_357 = tpu.matmul %convert_element_type3A_354, %convert_element_type3A_355, %dot_general3A_356 {dimension_numbers = #tpu.dot_dimension_numbers<[1], [0], [0], [1], [0, 0, 1, 1], [], []>, transpose_lhs_hint = false} : vector<200x256xbf16>, vector<256x128xbf16>, vector<200x128xf32> -> vector<200x128xf32>
    %mul3A_358 = vector.broadcast %div3A_312 : vector<200x1xf32> to vector<200x128xf32>
    %mul3A_359 = arith.mulf %dot_general3A_357, %mul3A_358 : vector<200x128xf32>
    %concatenate3A_360 = tpu.concatenate %mul3A_335, %mul3A_343, %mul3A_351, %mul3A_359 in 0 : vector<200x128xf32>, vector<200x128xf32>, vector<200x128xf32>, vector<200x128xf32> -> vector<800x128xf32>
    %add3A_361 = arith.addf %concatenate3A_360, %add3A_327 : vector<800x128xf32>
    %integer_pow3A_362 = arith.mulf %add3A_361, %add3A_361 : vector<800x128xf32>
    %integer_pow3A_363 = arith.mulf %add3A_361, %integer_pow3A_362 : vector<800x128xf32>
    %mul3A_364 = arith.constant 4.471500e-02 : f32
    %mul3A_365 = vector.broadcast %mul3A_364 : f32 to vector<800x128xf32>
    %mul3A_366 = arith.mulf %mul3A_365, %integer_pow3A_363 : vector<800x128xf32>
    %add3A_367 = arith.addf %add3A_361, %mul3A_366 : vector<800x128xf32>
    %mul3A_368 = arith.constant 0.797884583 : f32
    %mul3A_369 = vector.broadcast %mul3A_368 : f32 to vector<800x128xf32>
    %mul3A_370 = arith.mulf %mul3A_369, %add3A_367 : vector<800x128xf32>
    %tanh3A_371 = math.tanh %mul3A_370 : vector<800x128xf32>
    %add3A_372 = arith.constant 1.000000e+00 : f32
    %add3A_373 = vector.broadcast %add3A_372 : f32 to vector<800x128xf32>
    %add3A_374 = arith.addf %add3A_373, %tanh3A_371 : vector<800x128xf32>
    %mul3A_375 = arith.constant 5.000000e-01 : f32
    %mul3A_376 = vector.broadcast %mul3A_375 : f32 to vector<800x128xf32>
    %mul3A_377 = arith.mulf %mul3A_376, %add3A_374 : vector<800x128xf32>
    %mul3A_378 = arith.mulf %add3A_361, %mul3A_377 : vector<800x128xf32>
    %convert_element_type3A_379 = arith.truncf %mul3A_378 : vector<800x128xf32> to vector<800x128xbf16>
    %convert_element_type3A_380 = arith.truncf %get3A_5 : vector<128x256xf32> to vector<128x256xbf16>
    %dot_general3A_381 = arith.constant dense<0.000000e+00> : vector<800x256xf32>
    %dot_general3A_382 = tpu.matmul %convert_element_type3A_379, %convert_element_type3A_380, %dot_general3A_381 {dimension_numbers = #tpu.dot_dimension_numbers<[1], [0], [0], [1], [0, 0, 1, 1], [], []>, transpose_lhs_hint = false} : vector<800x128xbf16>, vector<128x256xbf16>, vector<800x256xf32> -> vector<800x256xf32>
    %slice3A_383 = vector.extract_strided_slice %dot_general3A_382 {offsets = [0, 0], sizes = [800, 128], strides = [1, 1]} : vector<800x256xf32> to vector<800x128xf32>
    %slice3A_384 = vector.extract_strided_slice %dot_general3A_382 {offsets = [0, 128], sizes = [800, 128], strides = [1, 1]} : vector<800x256xf32> to vector<800x128xf32>
    %add3A_385 = vector.broadcast %get3A_11 : vector<1x128xf32> to vector<800x128xf32>
    %add3A_386 = arith.addf %slice3A_384, %add3A_385 : vector<800x128xf32>
    %slice3A_387 = vector.extract_strided_slice %slice3A_383 {offsets = [0, 0], sizes = [200, 128], strides = [1, 1]} : vector<800x128xf32> to vector<200x128xf32>
    %concatenate3A_388 = tpu.concatenate %slice3A_387, %broadcast_in_dim3A_0 in 0 : vector<200x128xf32>, vector<56x128xf32> -> vector<256x128xf32>
    %convert_element_type3A_389 = arith.truncf %get3A_303 : vector<200x256xf32> to vector<200x256xbf16>
    %convert_element_type3A_390 = arith.truncf %concatenate3A_388 : vector<256x128xf32> to vector<256x128xbf16>
    %dot_general3A_391 = arith.constant dense<0.000000e+00> : vector<200x128xf32>
    %dot_general3A_392 = tpu.matmul %convert_element_type3A_389, %convert_element_type3A_390, %dot_general3A_391 {dimension_numbers = #tpu.dot_dimension_numbers<[1], [0], [0], [1], [0, 0, 1, 1], [], []>, transpose_lhs_hint = false} : vector<200x256xbf16>, vector<256x128xbf16>, vector<200x128xf32> -> vector<200x128xf32>
    %mul3A_393 = vector.broadcast %div3A_312 : vector<200x1xf32> to vector<200x128xf32>
    %mul3A_394 = arith.mulf %dot_general3A_392, %mul3A_393 : vector<200x128xf32>
    %slice3A_395 = vector.extract_strided_slice %slice3A_383 {offsets = [200, 0], sizes = [200, 128], strides = [1, 1]} : vector<800x128xf32> to vector<200x128xf32>
    %concatenate3A_396 = tpu.concatenate %slice3A_395, %broadcast_in_dim3A_0 in 0 : vector<200x128xf32>, vector<56x128xf32> -> vector<256x128xf32>
    %convert_element_type3A_397 = arith.truncf %get3A_303 : vector<200x256xf32> to vector<200x256xbf16>
    %convert_element_type3A_398 = arith.truncf %concatenate3A_396 : vector<256x128xf32> to vector<256x128xbf16>
    %dot_general3A_399 = arith.constant dense<0.000000e+00> : vector<200x128xf32>
    %dot_general3A_400 = tpu.matmul %convert_element_type3A_397, %convert_element_type3A_398, %dot_general3A_399 {dimension_numbers = #tpu.dot_dimension_numbers<[1], [0], [0], [1], [0, 0, 1, 1], [], []>, transpose_lhs_hint = false} : vector<200x256xbf16>, vector<256x128xbf16>, vector<200x128xf32> -> vector<200x128xf32>
    %mul3A_401 = vector.broadcast %div3A_312 : vector<200x1xf32> to vector<200x128xf32>
    %mul3A_402 = arith.mulf %dot_general3A_400, %mul3A_401 : vector<200x128xf32>
    %slice3A_403 = vector.extract_strided_slice %slice3A_383 {offsets = [400, 0], sizes = [200, 128], strides = [1, 1]} : vector<800x128xf32> to vector<200x128xf32>
    %concatenate3A_404 = tpu.concatenate %slice3A_403, %broadcast_in_dim3A_0 in 0 : vector<200x128xf32>, vector<56x128xf32> -> vector<256x128xf32>
    %convert_element_type3A_405 = arith.truncf %get3A_303 : vector<200x256xf32> to vector<200x256xbf16>
    %convert_element_type3A_406 = arith.truncf %concatenate3A_404 : vector<256x128xf32> to vector<256x128xbf16>
    %dot_general3A_407 = arith.constant dense<0.000000e+00> : vector<200x128xf32>
    %dot_general3A_408 = tpu.matmul %convert_element_type3A_405, %convert_element_type3A_406, %dot_general3A_407 {dimension_numbers = #tpu.dot_dimension_numbers<[1], [0], [0], [1], [0, 0, 1, 1], [], []>, transpose_lhs_hint = false} : vector<200x256xbf16>, vector<256x128xbf16>, vector<200x128xf32> -> vector<200x128xf32>
    %mul3A_409 = vector.broadcast %div3A_312 : vector<200x1xf32> to vector<200x128xf32>
    %mul3A_410 = arith.mulf %dot_general3A_408, %mul3A_409 : vector<200x128xf32>
    %slice3A_411 = vector.extract_strided_slice %slice3A_383 {offsets = [600, 0], sizes = [200, 128], strides = [1, 1]} : vector<800x128xf32> to vector<200x128xf32>
    %concatenate3A_412 = tpu.concatenate %slice3A_411, %broadcast_in_dim3A_0 in 0 : vector<200x128xf32>, vector<56x128xf32> -> vector<256x128xf32>
    %convert_element_type3A_413 = arith.truncf %get3A_303 : vector<200x256xf32> to vector<200x256xbf16>
    %convert_element_type3A_414 = arith.truncf %concatenate3A_412 : vector<256x128xf32> to vector<256x128xbf16>
    %dot_general3A_415 = arith.constant dense<0.000000e+00> : vector<200x128xf32>
    %dot_general3A_416 = tpu.matmul %convert_element_type3A_413, %convert_element_type3A_414, %dot_general3A_415 {dimension_numbers = #tpu.dot_dimension_numbers<[1], [0], [0], [1], [0, 0, 1, 1], [], []>, transpose_lhs_hint = false} : vector<200x256xbf16>, vector<256x128xbf16>, vector<200x128xf32> -> vector<200x128xf32>
    %mul3A_417 = vector.broadcast %div3A_312 : vector<200x1xf32> to vector<200x128xf32>
    %mul3A_418 = arith.mulf %dot_general3A_416, %mul3A_417 : vector<200x128xf32>
    %concatenate3A_419 = tpu.concatenate %mul3A_394, %mul3A_402, %mul3A_410, %mul3A_418 in 0 : vector<200x128xf32>, vector<200x128xf32>, vector<200x128xf32>, vector<200x128xf32> -> vector<800x128xf32>
    %add3A_420 = arith.addf %concatenate3A_419, %add3A_386 : vector<800x128xf32>
    %convert_element_type3A_421 = arith.truncf %select_n3A_40 : vector<4x800xf32> to vector<4x800xbf16>
    %convert_element_type3A_422 = arith.truncf %add3A_420 : vector<800x128xf32> to vector<800x128xbf16>
    %dot_general3A_423 = arith.constant dense<0.000000e+00> : vector<4x128xf32>
    %dot_general3A_424 = tpu.matmul %convert_element_type3A_421, %convert_element_type3A_422, %dot_general3A_423 {dimension_numbers = #tpu.dot_dimension_numbers<[1], [0], [0], [1], [0, 0, 1, 1], [], []>, transpose_lhs_hint = false} : vector<4x800xbf16>, vector<800x128xbf16>, vector<4x128xf32> -> vector<4x128xf32>
    %mul3A_425 = arith.constant 5.000000e-03 : f32
    %mul3A_426 = vector.broadcast %mul3A_425 : f32 to vector<4x128xf32>
    %mul3A_427 = arith.mulf %dot_general3A_424, %mul3A_426 : vector<4x128xf32>
    %swap3A_428 = arith.constant 2 : index
    %swap3A_429 = arith.constant 0 : index
    %swap3A_430 = arith.constant 0 : index
    %swap3A_431 = vector.load %arg7[%swap3A_428, %swap3A_429, %swap3A_430] : memref<4x4x128xf32, #tpu.memory_space<vmem>>, vector<1x4x128xf32>
    %swap3A_432 = vector.shape_cast %swap3A_431 : vector<1x4x128xf32> to vector<4x128xf32>
    %swap3A_433 = vector.shape_cast %mul3A_427 : vector<4x128xf32> to vector<1x4x128xf32>
    tpu.vector_store %arg7[%swap3A_428, %swap3A_429, %swap3A_430], %swap3A_433 {strides = array<i32>} : memref<4x4x128xf32, #tpu.memory_space<vmem>>, vector<1x4x128xf32>,
    %get3A_434 = arith.constant 3 : index
    %get3A_435 = arith.constant 0 : index
    %get3A_436 = arith.constant 0 : index
    %get3A_437 = vector.load %arg2[%get3A_434, %get3A_435, %get3A_436] : memref<4x200x256xf32, #tpu.memory_space<vmem>>, vector<1x200x256xf32>
    %get3A_438 = vector.shape_cast %get3A_437 : vector<1x200x256xf32> to vector<200x256xf32>
    %reduce_sum3A_439 = arith.constant dense<0.000000e+00> : vector<200xf32>
    %reduce_sum3A_440 = vector.multi_reduction <add>, %get3A_438, %reduce_sum3A_439 [1] : vector<200x256xf32> to vector<200xf32>
    %broadcast_in_dim3A_441 = vector.shape_cast %reduce_sum3A_440 : vector<200xf32> to vector<200x1xf32>
    %max3A_442 = arith.constant 1.000000e+00 : f32
    %max3A_443 = vector.broadcast %max3A_442 : f32 to vector<200x1xf32>
    %max3A_444 = arith.maximumf %broadcast_in_dim3A_441, %max3A_443 : vector<200x1xf32>
    %div3A_445 = arith.constant 1.000000e+00 : f32
    %div3A_446 = vector.broadcast %div3A_445 : f32 to vector<200x1xf32>
    %div3A_447 = arith.divf %div3A_446, %max3A_444 : vector<200x1xf32>
    %get3A_448 = arith.constant 0 : index
    %get3A_449 = arith.constant 3 : index
    %get3A_450 = arith.constant 0 : index
    %get3A_451 = arith.constant 0 : index
    %get3A_452 = vector.load %arg1[%get3A_448, %get3A_449, %get3A_450, %get3A_451] : memref<4x4x200x128xf32, #tpu.memory_space<vmem>>, vector<4x1x200x128xf32>
    %get3A_453 = vector.shape_cast %get3A_452 : vector<4x1x200x128xf32> to vector<4x200x128xf32>
    %reshape3A_454 = vector.shape_cast %get3A_453 : vector<4x200x128xf32> to vector<800x128xf32>
    %convert_element_type3A_455 = arith.truncf %reshape3A_454 : vector<800x128xf32> to vector<800x128xbf16>
    %convert_element_type3A_456 = arith.truncf %get3A_2 : vector<128x256xf32> to vector<128x256xbf16>
    %dot_general3A_457 = arith.constant dense<0.000000e+00> : vector<800x256xf32>
    %dot_general3A_458 = tpu.matmul %convert_element_type3A_455, %convert_element_type3A_456, %dot_general3A_457 {dimension_numbers = #tpu.dot_dimension_numbers<[1], [0], [0], [1], [0, 0, 1, 1], [], []>, transpose_lhs_hint = false} : vector<800x128xbf16>, vector<128x256xbf16>, vector<800x256xf32> -> vector<800x256xf32>
    %slice3A_459 = vector.extract_strided_slice %dot_general3A_458 {offsets = [0, 0], sizes = [800, 128], strides = [1, 1]} : vector<800x256xf32> to vector<800x128xf32>
    %slice3A_460 = vector.extract_strided_slice %dot_general3A_458 {offsets = [0, 128], sizes = [800, 128], strides = [1, 1]} : vector<800x256xf32> to vector<800x128xf32>
    %add3A_461 = vector.broadcast %get3A_8 : vector<1x128xf32> to vector<800x128xf32>
    %add3A_462 = arith.addf %slice3A_460, %add3A_461 : vector<800x128xf32>
    %slice3A_463 = vector.extract_strided_slice %slice3A_459 {offsets = [0, 0], sizes = [200, 128], strides = [1, 1]} : vector<800x128xf32> to vector<200x128xf32>
    %concatenate3A_464 = tpu.concatenate %slice3A_463, %broadcast_in_dim3A_0 in 0 : vector<200x128xf32>, vector<56x128xf32> -> vector<256x128xf32>
    %convert_element_type3A_465 = arith.truncf %get3A_438 : vector<200x256xf32> to vector<200x256xbf16>
    %convert_element_type3A_466 = arith.truncf %concatenate3A_464 : vector<256x128xf32> to vector<256x128xbf16>
    %dot_general3A_467 = arith.constant dense<0.000000e+00> : vector<200x128xf32>
    %dot_general3A_468 = tpu.matmul %convert_element_type3A_465, %convert_element_type3A_466, %dot_general3A_467 {dimension_numbers = #tpu.dot_dimension_numbers<[1], [0], [0], [1], [0, 0, 1, 1], [], []>, transpose_lhs_hint = false} : vector<200x256xbf16>, vector<256x128xbf16>, vector<200x128xf32> -> vector<200x128xf32>
    %mul3A_469 = vector.broadcast %div3A_447 : vector<200x1xf32> to vector<200x128xf32>
    %mul3A_470 = arith.mulf %dot_general3A_468, %mul3A_469 : vector<200x128xf32>
    %slice3A_471 = vector.extract_strided_slice %slice3A_459 {offsets = [200, 0], sizes = [200, 128], strides = [1, 1]} : vector<800x128xf32> to vector<200x128xf32>
    %concatenate3A_472 = tpu.concatenate %slice3A_471, %broadcast_in_dim3A_0 in 0 : vector<200x128xf32>, vector<56x128xf32> -> vector<256x128xf32>
    %convert_element_type3A_473 = arith.truncf %get3A_438 : vector<200x256xf32> to vector<200x256xbf16>
    %convert_element_type3A_474 = arith.truncf %concatenate3A_472 : vector<256x128xf32> to vector<256x128xbf16>
    %dot_general3A_475 = arith.constant dense<0.000000e+00> : vector<200x128xf32>
    %dot_general3A_476 = tpu.matmul %convert_element_type3A_473, %convert_element_type3A_474, %dot_general3A_475 {dimension_numbers = #tpu.dot_dimension_numbers<[1], [0], [0], [1], [0, 0, 1, 1], [], []>, transpose_lhs_hint = false} : vector<200x256xbf16>, vector<256x128xbf16>, vector<200x128xf32> -> vector<200x128xf32>
    %mul3A_477 = vector.broadcast %div3A_447 : vector<200x1xf32> to vector<200x128xf32>
    %mul3A_478 = arith.mulf %dot_general3A_476, %mul3A_477 : vector<200x128xf32>
    %slice3A_479 = vector.extract_strided_slice %slice3A_459 {offsets = [400, 0], sizes = [200, 128], strides = [1, 1]} : vector<800x128xf32> to vector<200x128xf32>
    %concatenate3A_480 = tpu.concatenate %slice3A_479, %broadcast_in_dim3A_0 in 0 : vector<200x128xf32>, vector<56x128xf32> -> vector<256x128xf32>
    %convert_element_type3A_481 = arith.truncf %get3A_438 : vector<200x256xf32> to vector<200x256xbf16>
    %convert_element_type3A_482 = arith.truncf %concatenate3A_480 : vector<256x128xf32> to vector<256x128xbf16>
    %dot_general3A_483 = arith.constant dense<0.000000e+00> : vector<200x128xf32>
    %dot_general3A_484 = tpu.matmul %convert_element_type3A_481, %convert_element_type3A_482, %dot_general3A_483 {dimension_numbers = #tpu.dot_dimension_numbers<[1], [0], [0], [1], [0, 0, 1, 1], [], []>, transpose_lhs_hint = false} : vector<200x256xbf16>, vector<256x128xbf16>, vector<200x128xf32> -> vector<200x128xf32>
    %mul3A_485 = vector.broadcast %div3A_447 : vector<200x1xf32> to vector<200x128xf32>
    %mul3A_486 = arith.mulf %dot_general3A_484, %mul3A_485 : vector<200x128xf32>
    %slice3A_487 = vector.extract_strided_slice %slice3A_459 {offsets = [600, 0], sizes = [200, 128], strides = [1, 1]} : vector<800x128xf32> to vector<200x128xf32>
    %concatenate3A_488 = tpu.concatenate %slice3A_487, %broadcast_in_dim3A_0 in 0 : vector<200x128xf32>, vector<56x128xf32> -> vector<256x128xf32>
    %convert_element_type3A_489 = arith.truncf %get3A_438 : vector<200x256xf32> to vector<200x256xbf16>
    %convert_element_type3A_490 = arith.truncf %concatenate3A_488 : vector<256x128xf32> to vector<256x128xbf16>
    %dot_general3A_491 = arith.constant dense<0.000000e+00> : vector<200x128xf32>
    %dot_general3A_492 = tpu.matmul %convert_element_type3A_489, %convert_element_type3A_490, %dot_general3A_491 {dimension_numbers = #tpu.dot_dimension_numbers<[1], [0], [0], [1], [0, 0, 1, 1], [], []>, transpose_lhs_hint = false} : vector<200x256xbf16>, vector<256x128xbf16>, vector<200x128xf32> -> vector<200x128xf32>
    %mul3A_493 = vector.broadcast %div3A_447 : vector<200x1xf32> to vector<200x128xf32>
    %mul3A_494 = arith.mulf %dot_general3A_492, %mul3A_493 : vector<200x128xf32>
    %concatenate3A_495 = tpu.concatenate %mul3A_470, %mul3A_478, %mul3A_486, %mul3A_494 in 0 : vector<200x128xf32>, vector<200x128xf32>, vector<200x128xf32>, vector<200x128xf32> -> vector<800x128xf32>
    %add3A_496 = arith.addf %concatenate3A_495, %add3A_462 : vector<800x128xf32>
    %integer_pow3A_497 = arith.mulf %add3A_496, %add3A_496 : vector<800x128xf32>
    %integer_pow3A_498 = arith.mulf %add3A_496, %integer_pow3A_497 : vector<800x128xf32>
    %mul3A_499 = arith.constant 4.471500e-02 : f32
    %mul3A_500 = vector.broadcast %mul3A_499 : f32 to vector<800x128xf32>
    %mul3A_501 = arith.mulf %mul3A_500, %integer_pow3A_498 : vector<800x128xf32>
    %add3A_502 = arith.addf %add3A_496, %mul3A_501 : vector<800x128xf32>
    %mul3A_503 = arith.constant 0.797884583 : f32
    %mul3A_504 = vector.broadcast %mul3A_503 : f32 to vector<800x128xf32>
    %mul3A_505 = arith.mulf %mul3A_504, %add3A_502 : vector<800x128xf32>
    %tanh3A_506 = math.tanh %mul3A_505 : vector<800x128xf32>
    %add3A_507 = arith.constant 1.000000e+00 : f32
    %add3A_508 = vector.broadcast %add3A_507 : f32 to vector<800x128xf32>
    %add3A_509 = arith.addf %add3A_508, %tanh3A_506 : vector<800x128xf32>
    %mul3A_510 = arith.constant 5.000000e-01 : f32
    %mul3A_511 = vector.broadcast %mul3A_510 : f32 to vector<800x128xf32>
    %mul3A_512 = arith.mulf %mul3A_511, %add3A_509 : vector<800x128xf32>
    %mul3A_513 = arith.mulf %add3A_496, %mul3A_512 : vector<800x128xf32>
    %convert_element_type3A_514 = arith.truncf %mul3A_513 : vector<800x128xf32> to vector<800x128xbf16>
    %convert_element_type3A_515 = arith.truncf %get3A_5 : vector<128x256xf32> to vector<128x256xbf16>
    %dot_general3A_516 = arith.constant dense<0.000000e+00> : vector<800x256xf32>
    %dot_general3A_517 = tpu.matmul %convert_element_type3A_514, %convert_element_type3A_515, %dot_general3A_516 {dimension_numbers = #tpu.dot_dimension_numbers<[1], [0], [0], [1], [0, 0, 1, 1], [], []>, transpose_lhs_hint = false} : vector<800x128xbf16>, vector<128x256xbf16>, vector<800x256xf32> -> vector<800x256xf32>
    %slice3A_518 = vector.extract_strided_slice %dot_general3A_517 {offsets = [0, 0], sizes = [800, 128], strides = [1, 1]} : vector<800x256xf32> to vector<800x128xf32>
    %slice3A_519 = vector.extract_strided_slice %dot_general3A_517 {offsets = [0, 128], sizes = [800, 128], strides = [1, 1]} : vector<800x256xf32> to vector<800x128xf32>
    %add3A_520 = vector.broadcast %get3A_11 : vector<1x128xf32> to vector<800x128xf32>
    %add3A_521 = arith.addf %slice3A_519, %add3A_520 : vector<800x128xf32>
    %slice3A_522 = vector.extract_strided_slice %slice3A_518 {offsets = [0, 0], sizes = [200, 128], strides = [1, 1]} : vector<800x128xf32> to vector<200x128xf32>
    %concatenate3A_523 = tpu.concatenate %slice3A_522, %broadcast_in_dim3A_0 in 0 : vector<200x128xf32>, vector<56x128xf32> -> vector<256x128xf32>
    %convert_element_type3A_524 = arith.truncf %get3A_438 : vector<200x256xf32> to vector<200x256xbf16>
    %convert_element_type3A_525 = arith.truncf %concatenate3A_523 : vector<256x128xf32> to vector<256x128xbf16>
    %dot_general3A_526 = arith.constant dense<0.000000e+00> : vector<200x128xf32>
    %dot_general3A_527 = tpu.matmul %convert_element_type3A_524, %convert_element_type3A_525, %dot_general3A_526 {dimension_numbers = #tpu.dot_dimension_numbers<[1], [0], [0], [1], [0, 0, 1, 1], [], []>, transpose_lhs_hint = false} : vector<200x256xbf16>, vector<256x128xbf16>, vector<200x128xf32> -> vector<200x128xf32>
    %mul3A_528 = vector.broadcast %div3A_447 : vector<200x1xf32> to vector<200x128xf32>
    %mul3A_529 = arith.mulf %dot_general3A_527, %mul3A_528 : vector<200x128xf32>
    %slice3A_530 = vector.extract_strided_slice %slice3A_518 {offsets = [200, 0], sizes = [200, 128], strides = [1, 1]} : vector<800x128xf32> to vector<200x128xf32>
    %concatenate3A_531 = tpu.concatenate %slice3A_530, %broadcast_in_dim3A_0 in 0 : vector<200x128xf32>, vector<56x128xf32> -> vector<256x128xf32>
    %convert_element_type3A_532 = arith.truncf %get3A_438 : vector<200x256xf32> to vector<200x256xbf16>
    %convert_element_type3A_533 = arith.truncf %concatenate3A_531 : vector<256x128xf32> to vector<256x128xbf16>
    %dot_general3A_534 = arith.constant dense<0.000000e+00> : vector<200x128xf32>
    %dot_general3A_535 = tpu.matmul %convert_element_type3A_532, %convert_element_type3A_533, %dot_general3A_534 {dimension_numbers = #tpu.dot_dimension_numbers<[1], [0], [0], [1], [0, 0, 1, 1], [], []>, transpose_lhs_hint = false} : vector<200x256xbf16>, vector<256x128xbf16>, vector<200x128xf32> -> vector<200x128xf32>
    %mul3A_536 = vector.broadcast %div3A_447 : vector<200x1xf32> to vector<200x128xf32>
    %mul3A_537 = arith.mulf %dot_general3A_535, %mul3A_536 : vector<200x128xf32>
    %slice3A_538 = vector.extract_strided_slice %slice3A_518 {offsets = [400, 0], sizes = [200, 128], strides = [1, 1]} : vector<800x128xf32> to vector<200x128xf32>
    %concatenate3A_539 = tpu.concatenate %slice3A_538, %broadcast_in_dim3A_0 in 0 : vector<200x128xf32>, vector<56x128xf32> -> vector<256x128xf32>
    %convert_element_type3A_540 = arith.truncf %get3A_438 : vector<200x256xf32> to vector<200x256xbf16>
    %convert_element_type3A_541 = arith.truncf %concatenate3A_539 : vector<256x128xf32> to vector<256x128xbf16>
    %dot_general3A_542 = arith.constant dense<0.000000e+00> : vector<200x128xf32>
    %dot_general3A_543 = tpu.matmul %convert_element_type3A_540, %convert_element_type3A_541, %dot_general3A_542 {dimension_numbers = #tpu.dot_dimension_numbers<[1], [0], [0], [1], [0, 0, 1, 1], [], []>, transpose_lhs_hint = false} : vector<200x256xbf16>, vector<256x128xbf16>, vector<200x128xf32> -> vector<200x128xf32>
    %mul3A_544 = vector.broadcast %div3A_447 : vector<200x1xf32> to vector<200x128xf32>
    %mul3A_545 = arith.mulf %dot_general3A_543, %mul3A_544 : vector<200x128xf32>
    %slice3A_546 = vector.extract_strided_slice %slice3A_518 {offsets = [600, 0], sizes = [200, 128], strides = [1, 1]} : vector<800x128xf32> to vector<200x128xf32>
    %concatenate3A_547 = tpu.concatenate %slice3A_546, %broadcast_in_dim3A_0 in 0 : vector<200x128xf32>, vector<56x128xf32> -> vector<256x128xf32>
    %convert_element_type3A_548 = arith.truncf %get3A_438 : vector<200x256xf32> to vector<200x256xbf16>
    %convert_element_type3A_549 = arith.truncf %concatenate3A_547 : vector<256x128xf32> to vector<256x128xbf16>
    %dot_general3A_550 = arith.constant dense<0.000000e+00> : vector<200x128xf32>
    %dot_general3A_551 = tpu.matmul %convert_element_type3A_548, %convert_element_type3A_549, %dot_general3A_550 {dimension_numbers = #tpu.dot_dimension_numbers<[1], [0], [0], [1], [0, 0, 1, 1], [], []>, transpose_lhs_hint = false} : vector<200x256xbf16>, vector<256x128xbf16>, vector<200x128xf32> -> vector<200x128xf32>
    %mul3A_552 = vector.broadcast %div3A_447 : vector<200x1xf32> to vector<200x128xf32>
    %mul3A_553 = arith.mulf %dot_general3A_551, %mul3A_552 : vector<200x128xf32>
    %concatenate3A_554 = tpu.concatenate %mul3A_529, %mul3A_537, %mul3A_545, %mul3A_553 in 0 : vector<200x128xf32>, vector<200x128xf32>, vector<200x128xf32>, vector<200x128xf32> -> vector<800x128xf32>
    %add3A_555 = arith.addf %concatenate3A_554, %add3A_521 : vector<800x128xf32>
    %convert_element_type3A_556 = arith.truncf %select_n3A_40 : vector<4x800xf32> to vector<4x800xbf16>
    %convert_element_type3A_557 = arith.truncf %add3A_555 : vector<800x128xf32> to vector<800x128xbf16>
    %dot_general3A_558 = arith.constant dense<0.000000e+00> : vector<4x128xf32>
    %dot_general3A_559 = tpu.matmul %convert_element_type3A_556, %convert_element_type3A_557, %dot_general3A_558 {dimension_numbers = #tpu.dot_dimension_numbers<[1], [0], [0], [1], [0, 0, 1, 1], [], []>, transpose_lhs_hint = false} : vector<4x800xbf16>, vector<800x128xbf16>, vector<4x128xf32> -> vector<4x128xf32>
    %mul3A_560 = arith.constant 5.000000e-03 : f32
    %mul3A_561 = vector.broadcast %mul3A_560 : f32 to vector<4x128xf32>
    %mul3A_562 = arith.mulf %dot_general3A_559, %mul3A_561 : vector<4x128xf32>
    %swap3A_563 = arith.constant 3 : index
    %swap3A_564 = arith.constant 0 : index
    %swap3A_565 = arith.constant 0 : index
    %swap3A_566 = vector.load %arg7[%swap3A_563, %swap3A_564, %swap3A_565] : memref<4x4x128xf32, #tpu.memory_space<vmem>>, vector<1x4x128xf32>
    %swap3A_567 = vector.shape_cast %swap3A_566 : vector<1x4x128xf32> to vector<4x128xf32>
    %swap3A_568 = vector.shape_cast %mul3A_562 : vector<4x128xf32> to vector<1x4x128xf32>
    tpu.vector_store %arg7[%swap3A_563, %swap3A_564, %swap3A_565], %swap3A_568 {strides = array<i32>} : memref<4x4x128xf32, #tpu.memory_space<vmem>>, vector<1x4x128xf32>,
    return
  }
  func.func @transform_0(%arg0: i32) -> (i32, i32, i32, i32) {
    %c0_i32 = arith.constant 0 : i32
    %c0_i32_0 = arith.constant 0 : i32
    %c0_i32_1 = arith.constant 0 : i32
    %c0_i32_2 = arith.constant 0 : i32
    return %c0_i32, %arg0, %c0_i32_0, %c0_i32_1 : i32, i32, i32, i32
  }
  func.func @transform_1(%arg0: i32) -> (i32, i32, i32) {
    %c0_i32 = arith.constant 0 : i32
    %c0_i32_0 = arith.constant 0 : i32
    %c0_i32_1 = arith.constant 0 : i32
    return %arg0, %c0_i32, %c0_i32_0 : i32, i32, i32
  }
  func.func @transform_2(%arg0: i32) -> (i32, i32) {
    %c0_i32 = arith.constant 0 : i32
    %c0_i32_0 = arith.constant 0 : i32
    %c0_i32_1 = arith.constant 0 : i32
    return %c0_i32, %c0_i32_0 : i32, i32
  }
  func.func @transform_3(%arg0: i32) -> (i32, i32) {
    %c0_i32 = arith.constant 0 : i32
    %c0_i32_0 = arith.constant 0 : i32
    %c0_i32_1 = arith.constant 0 : i32
    return %c0_i32, %c0_i32_0 : i32, i32
  }
  func.func @transform_4(%arg0: i32) -> (i32, i32) {
    %c0_i32 = arith.constant 0 : i32
    %c0_i32_0 = arith.constant 0 : i32
    %c0_i32_1 = arith.constant 0 : i32
    return %c0_i32, %c0_i32_0 : i32, i32
  }
  func.func @transform_5(%arg0: i32) -> (i32, i32) {
    %c0_i32 = arith.constant 0 : i32
    %c0_i32_0 = arith.constant 0 : i32
    %c0_i32_1 = arith.constant 0 : i32
    return %c0_i32, %c0_i32_0 : i32, i32
  }
  func.func @transform_6(%arg0: i32) -> (i32, i32, i32) {
    %c0_i32 = arith.constant 0 : i32
    %c0_i32_0 = arith.constant 0 : i32
    %c0_i32_1 = arith.constant 0 : i32
    return %arg0, %c0_i32, %c0_i32_0 : i32, i32, i32
  }
}

</mosaic_0001>

<sc_bundles>
// kernel: kernel.4.cloned.1.call-start
scs
__scs_entry_jumppad:
0x0: {  	(pc) =	sbr.rel $0x88, $3  }
0x1: {  	(tag) =	ssettag $0x0;
	lr =	simm.s32 $0x1  }
0x2: {  	[smem:$0x3F99] =	sst lr;
	_ =	strace $0xD0000000  }
0x3: {  	_ = 	snop  }
0x4: {  	_ = 	snop  }
0x5: {  	_ = 	snop  }
0x6: {  	_ = 	snop  }
0x7: {  	_ = 	snop  }
__scs_overlays_trampoline_lowered:
0x8: {  	[smem:$0x3FA8] =	sst s0  }
0x9: {  	[smem:$0x3FA9] =	sst s1  }
0xa: {  	[smem:$0x3FAA] =	sst s2  }
0xb: {  	[smem:$0x3FAB] =	sst s3  }
0xc: {  	[smem:$0x3FAC] =	sst s4  }
0xd: {  	[smem:$0x3FAD] =	sst s5  }
0xe: {  	[smem:$0x3FAE] =	sst s6  }
0xf: {  	[smem:$0x3FAF] =	sst s7  }
0x10: {  	[smem:$0x3FB0] =	sst s8  }
0x11: {  	[smem:$0x3FB1] =	sst s9;
	s0 =	simm.s32 @!p0 $0x0  }
0x12: {  	s1 =	sld [smem:$0x3F97];
	s0 =	simm.s32 @p0 $0x1  }
0x13: {  	[smem:$0x3FB2] =	sst s0;
	s0 =	simm.s32 @!p1 $0x0  }
0x14: {  	s2 =	sld [smem:$0x3F96];
	s0 =	simm.s32 @p1 $0x1  }
0x15: {  	[smem:$0x3FB3] =	sst s0;
	s0 =	simm.s32 @!p2 $0x0  }
0x16: {  	s3 =	sld [smem:$0x3FDB];
	s0 =	simm.s32 @p2 $0x1  }
0x17: {  	s4 =	simm.s32 $0x1BF5;
	[smem:$0x3FB5] =	sst s0  }
0x18: {  	s0 =	sld [smem:$0x3F98];
	_ =	swait.ge [sflag:s4], $0x0  }
0x19: {  	s7 =	sld [smem:$0x3F99]  }
0x1a: {  	s8 =	sadd.s32 $0xFFFFE003, lr  }
0x1b: {  	s9 =	sadd.s32 $0xFFFFFEF7, lr;
	s5 =	simm.s32 $0xFFFFFFFF;
	p2 =	slt.u32 s8, $0xFFFFF086  }
0x1c: {  	p1 =	slt.u32 s9, $0xF7A;
	s5 =	simm.s32 @!p2 $0x0  }
0x1d: {  	s5 =	simm.s32 @p1 $0x1;
	p0 =	seq.s32 s7, s2  }
0x1e: {  	s7 =	smul.u32 @!p0 $0xF7A, s2;
	p2 =	seq.s32 @!p0 s5, $0x0  }
0x1f: {  	s9 =	smul.u32 $0xF7A, s1;
	s8 =	simm.s32 @!p0 $0x1BF5;
	p2 =	por !p2, p0  }
0x20: {  	[sflag:s8] =	ssyncset.s32 @!p0 $0xFFFFF086;
	s6 =	sadd.s32 @!p0 s3, s7;
	s7 =	simm.s32 @!p0 $0x108  }
0x21: {  	s3 =	sadd.s32 s3, s9;
	s6 =	sadd.s32 @!p0 $0x88, s6;
	s7 =	simm.s32 @p2 $0x1082  }
0x22: {  	[simem:s7], [sflag:s8] =	dma.local @!p0 [hbm:s6], $0xF7A  }
0x23: {  	s9 =	sor.u32 $0xD0000000, s2;
	s6 =	simm.s32 $0x108;
	_ =	swait.ge @!p0 [sflag:s8], $0x0  }
0x24: {  	s3 =	sadd.s32 $0x88, s3;
	s6 =	simm.s32 @!p1 $0x1082;
	[sflag:s4] =	ssyncset.s32 $0xFFFFF086  }
0x25: {  	[simem:s6], [sflag:s4] =	dma.local [hbm:s3], $0xF7A  }
0x26: {  	[smem:$0x3F99] =	sst s1;
	(tag) =	ssettag s2;
	_ =	strace s9  }
0x27: {  	s1 =	sld [smem:$0x3FA9]  }
0x28: {  	s2 =	sld [smem:$0x3FAA]  }
0x29: {  	s4 =	sld [smem:$0x3FAC]  }
0x2a: {  	p0 =	seq.s32 s5, $0x0;
	s5 =	sld [smem:$0x3FAD]  }
0x2b: {  	s6 =	sld [smem:$0x3FAE]  }
0x2c: {  	s7 =	sld [smem:$0x3FAF]  }
0x2d: {  	s3 =	simm.s32 $0x108;
	s8 =	sld [smem:$0x3FB0]  }
0x2e: {  	s3 =	simm.s32 @!p0 $0x1082;
	s9 =	sld [smem:$0x3FB1]  }
0x2f: {  	lr =	sadd.s32 s0, s3;
	s0 =	sld [smem:$0x3FA8]  }
0x30: {  	s3 =	sld [smem:$0x3FAB]  }
0x31: {  	[smem:$0x3FB4] =	sst s10  }
0x32: {  	s10 =	sld [smem:$0x3FB2];
	_ =	sdelay $0x3  }
0x33: {  	p0 =	seq.s32 s10, $0x1;
	s10 =	sld [smem:$0x3FB4];
	_ =	sdelay $0x3  }
0x34: {  	[smem:$0x3FB4] =	sst s10  }
0x35: {  	s10 =	sld [smem:$0x3FB3];
	_ =	sdelay $0x3  }
0x36: {  	p1 =	seq.s32 s10, $0x1;
	s10 =	sld [smem:$0x3FB4];
	_ =	sdelay $0x3  }
0x37: {  	[smem:$0x3FB4] =	sst s10  }
0x38: {  	s10 =	sld [smem:$0x3FB5]  }
0x39: {  	_ = 	snop;
	(pc) =	sbr.ind lr, $3  }
0x3a: {  	_ = 	snop  }
0x3b: {  	_ = 	snop  }
0x3c: {  	p2 =	seq.s32 s10, $0x1;
	s10 =	sld [smem:$0x3FB4]  }
0x3d: {  	_ =	shalt  }
0x3e: {  	_ =	shalt  }
0x3f: {  	_ =	shalt  }
0x40: {  	_ =	shalt  }
0x41: {  	_ =	shalt  }
0x42: {  	_ =	shalt  }
0x43: {  	_ =	shalt  }
0x44: {  	_ =	shalt  }
0x45: {  	_ =	shalt  }
0x46: {  	_ =	shalt  }
0x47: {  	_ =	shalt  }
0x48: {  	_ =	shalt  }
0x49: {  	_ =	shalt  }
0x4a: {  	_ =	shalt  }
0x4b: {  	_ =	shalt  }
0x4c: {  	_ =	shalt  }
0x4d: {  	_ =	shalt  }
0x4e: {  	_ =	shalt  }
0x4f: {  	_ =	shalt  }
0x50: {  	_ =	shalt  }
0x51: {  	_ =	shalt  }
0x52: {  	_ =	shalt  }
0x53: {  	_ =	shalt  }
0x54: {  	_ =	shalt  }
0x55: {  	_ =	shalt  }
0x56: {  	_ =	shalt  }
0x57: {  	_ =	shalt  }
0x58: {  	_ =	shalt  }
0x59: {  	_ =	shalt  }
0x5a: {  	_ =	shalt  }
0x5b: {  	_ =	shalt  }
0x5c: {  	_ =	shalt  }
0x5d: {  	_ =	shalt  }
0x5e: {  	_ =	shalt  }
0x5f: {  	_ =	shalt  }
0x60: {  	_ =	shalt  }
0x61: {  	_ =	shalt  }
0x62: {  	_ =	shalt  }
0x63: {  	_ =	shalt  }
0x64: {  	_ =	shalt  }
0x65: {  	_ =	shalt  }
0x66: {  	_ =	shalt  }
0x67: {  	_ =	shalt  }
0x68: {  	_ =	shalt  }
0x69: {  	_ =	shalt  }
0x6a: {  	_ =	shalt  }
0x6b: {  	_ =	shalt  }
0x6c: {  	_ =	shalt  }
0x6d: {  	_ =	shalt  }
0x6e: {  	_ =	shalt  }
0x6f: {  	_ =	shalt  }
0x70: {  	_ =	shalt  }
0x71: {  	_ =	shalt  }
0x72: {  	_ =	shalt  }
0x73: {  	_ =	shalt  }
0x74: {  	_ =	shalt  }
0x75: {  	_ =	shalt  }
0x76: {  	_ =	shalt  }
0x77: {  	_ =	shalt  }
0x78: {  	_ =	shalt  }
0x79: {  	_ =	shalt  }
0x7a: {  	_ =	shalt  }
0x7b: {  	_ =	shalt  }
0x7c: {  	_ =	shalt  }
0x7d: {  	_ =	shalt  }
0x7e: {  	_ =	shalt  }
0x7f: {  	_ =	shalt  }
0x80: {  	_ =	shalt  }
0x81: {  	_ =	shalt  }
0x82: {  	_ =	shalt  }
0x83: {  	_ =	shalt  }
0x84: {  	_ =	shalt  }
0x85: {  	_ =	shalt  }
0x86: {  	_ =	shalt  }
0x87: {  	_ =	shalt  }
.Lfunc_end0:
.L_simem_size_0:
called_computation_lowered:
.L_overlay_start_0:
0x88: {  	s2 =	sld [smem:$0x3FD9]  }
0x89: {  	s3 =	sld [smem:$0x3FFE];
	_ =	sdelay $0x1  }
0x8a: {  	s1 =	srdreg.scid  }
0x8b: {  	s0 =	sand.u32 $0x1, s1  }
0x8c: {  	s17 =	sshll.u32 s0, $0xA;
	s2 =	sadd.s32 s3, s2  }
0x8d: {  	s2 =	sadd.s32 s2, s17  }
0x8e: {  	[smem:$0x3FC0] =	sst s2  }
0x8f: {  	_ = 	snop  }
0x90: {  	s2 =	sld [smem:$0x3FC8];
	(tm) =	ssettm $0x1  }
0x91: {  	s18 =	sld [smem:$0x3FFB];
	_ =	sdelay $0x3  }
0x92: {  	_ =	strace s18  }
0x93: {  	s3 =	sld [smem:$0x3FFC];
	_ =	sdelay $0x3  }
0x94: {  	_ =	strace s3  }
0x95: {  	s3 =	sld [smem:$0x3FFD];
	_ =	sdelay $0x3  }
0x96: {  	_ =	strace s3  }
0x97: {  	_ =	strace $0x8FFFFFFF  }
0x98: {  	s19 =	sld [smem:$0x3FDB];
	_ =	sdelay $0x1  }
0x99: {  	s4 =	simm.s32 $_scs_section_size  }
0x9a: {  	s5 =	simm.s32 $_size__tile_overlayer_lowered;
	s6 =	simm.s32 $_tile_overlayer_lowered  }
0x9b: {  	s22 =	simm.s32 $0x1BFF;
	s21 =	sshll.u32 s6, $0x1;
	s3 =	sadd.s32 s4, s19  }
0x9c: {  	s7 =	simm.s32 $0x0;
	s20 =	sshll.u32 s5, $0x1;
	s5 =	sadd.s32 s21, s3  }
0x9d: {  	[timem:s7], [sflag:s22] =	dma.local [hbm:s5], s20  }
0x9e: {  	_ =	swait.ge [sflag:s22], s20  }
0x9f: {  	s4 =	ssub.s32 $0x0, s20;
	[sflag:s22] =	ssyncset.done $0x0  }
0xa0: {  	[sflag:s22] =	ssyncadd.s32 s4;
	_ =	sdelay $0x1  }
0xa1: {  	s23 =	simm.s32 $0x1B8B  }
0xa2: {  	_ =	swait.ge [sflag:s23], $0x1  }
0xa3: {  	[sflag:s23] =	ssyncset.done $0x0  }
0xa4: {  	s25 =	simm.s32 $0x1B8E;
	s24 =	sld [smem:$0x3FFE];
	[sflag:s23] =	ssyncadd.s32 $0xFFFFFFFF  }
0xa5: {  	s26 =	simm.s32 $execute0_lowered;
	[smem:$0x3FD2] =	sst s25  }
0xa6: {  	s5 =	sshll.u32 s26, $0x1;
	_ =	strace $0x80000046;
	[dreg:$0x1] =	wrdreg $0xFFFFFFFF  }
0xa7: {  	s28 =	simm.s32 $_size_execute0_lowered;
	s3 =	sadd.s32 s3, s5;
	[dreg:$0x0] =	wrdreg $0x0  }
0xa8: {  	s5 =	sshll.u32 s28, $0x1;
	[dreg:$0x2] =	wrdreg s3  }
0xa9: {  	[dreg:$0x3] =	wrdreg s5  }
0xaa: {  	[dreg:$0x4] =	wrdreg $0xC0  }
0xab: {  	_ =	task [dreg:s7], $0x5FFFF  }
0xac: {  	[dreg:$0x1] =	wrdreg $0xFFFFFFFF  }
0xad: {  	[dreg:$0x0] =	wrdreg $0x60  }
0xae: {  	[dreg:$0x2] =	wrdreg s2  }
0xaf: {  	[dreg:$0x3] =	wrdreg s24  }
0xb0: {  	[dreg:$0x4] =	wrdreg $0x9  }
0xb1: {  	_ =	task.clear_ibuf [dreg:s7], $0x5FFFF;
	_ =	strace $0x90000046  }
0xb2: {  	s29 =	simm.s32 $0x9;
	_ =	strace $0x80000048  }
0xb3: {  	_ =	swait.ge [sflag:s29], $0x1  }
0xb4: {  	[sflag:s29] =	ssyncadd.s32 $0xFFFFFFFF  }
0xb5: {  	_ =	strace $0x90000048  }
0xb6: {  	_ =	sfence  }
0xb7: {  	s30 =	sld [smem:$0x0];
	_ =	sdelay $0x2  }
0xb8: {  	s31 =	sshll.u32 s1, $0xD;
	s1 =	sshrl.u32 s1, $0x2  }
0xb9: {  	s3 =	sand.u32 $0x4000, s31;
	s1 =	sadd.s32 s1, s30  }
0xba: {  	s0 =	sor.u32 s3, s0;
	s1 =	sshll.u32 s1, $0x11  }
0xbb: {  	s0 =	sor.u32 s1, s0  }
0xbc: {  	s0 =	sadd.s32 $0x8F2B, s0  }
0xbd: {  	[sflag:s0] =	ssyncadd.remote.s32 $0x1  }
0xbe: {  	_ =	sfence.sel $0xFFFF  }
0xbf: {  	[dreg:$0x0] =	wrdreg $0xFFFFFFFF;
	(pc) =	sbr.abs _section_cstart, $3  }
0xc0: {  	[dreg:$0x1] =	wrdreg $0xFFFFFFFF  }
0xc1: {  	_ =	task.clear_ibuf [dreg:s7], $0x2FFFF;
	_ =	strace $0x9FFFFFFF  }
0xc2: {  	(tm) =	ssettm $0x7FFFFFFF  }
0xc3: {  	_ =	shalt  }
tec
execute0_lowered:
.L_overlay_start_1:
0x0: {  	(tag) =	ssettag $0x1  }
0x1: {  	s1 =	srdreg.scid;
	s3 =	rddreg [dreg:$0x0]  }
0x2: {  	s0 =	stileid.u32;
	v0 =	vimm.s32 $0xFFEDCBA9;
	v1 =	vimm.s32 $0x87654321;
	s5 =	rddreg [dreg:$0x1]  }
0x3: {  	v2 =	vimm.s32 $0xEDCBA987;
	s2 =	simm.s32 $0x0;
	v3 =	vimm.s32 $0x65432100;
	s8 =	simm.s32 $0x1900;
	s9 =	simm.s32 $0xE180  }
0x4: {  	s10 =	simm.s32 $0xE200;
	s4 =	sand.u32 $0x1, s1;
	s30 =	sshll.u32 s0, $0x1;
	v0 =	vunpack.c.l.s4.s8 v0;
	v1 =	vunpack.c.l.s4.s8 v1;
	v2 =	vunpack.c.l.s4.s8 v2  }
0x5: {  	s11 =	simm.s32 $0xE280;
	s12 =	simm.s32 $0x2;
	v3 =	vunpack.c.l.s4.s8 v3;
	s6 =	sor.u32 s4, s30  }
0x6: {  	s13 =	simm.s32 $0x0;
	s1 =	rddreg [dreg:$0x2];
	s7 =	smul.u32 $0x1900, s6;
	v0 =	vunpack.c.0.s8.s32 v0;
	v1 =	vunpack.c.0.s8.s32 v1;
	v2 =	vunpack.c.0.s8.s32 v2  }
0x7: {  	[smem:$0x7FF] =	sst s2;
	s4 =	ssub.s32 $0x2, s4;
	s6 =	smul.u32 $0x320, s6;
	v3 =	vunpack.c.0.s8.s32 v3  }
0x8: {  	v4 =	vlaneseq.u32;
	_ =	strace $0x80000047;
	s31 =	sshrl.u32 s4, $0x1;
	s5 =	sadd.s32 s7, s5;
	v1 =	vcombine.low v1, v0;
	v2 =	vand.u32 $0xF, v2  }
0x9: {  	vm0 =	vcmask $0x3F3C;
	s7 =	ssub.s32 s4, s31;
	s3 =	sadd.s32 s3, s6;
	v0 =	vimm.f32 $0.0e+00;
	s6 =	simm.s32 $0x1;
	v2 =	vcombine.low v3, v2  }
0xa: {  	s4 =	sadd.s32 $0x1600, s5;
	s5 =	smax.u32 s7, $0x1;
	s7 =	simm.s32 $0xE100;
	v3 =	vor.u32 $0x80000000, v4;
	v4 =	vadd.s32 $0x1, v4;
	v1 =	vand.u32 $0xF, v1  }
.LBB2_1:
0xb: {  	[tilespmem:s2], [sflag:$0x1] =	stream.linear.gather [hbm4b:s3+s2], $0x1900, $0x38;
	[tilespmem:$0xE300] =	vst v63  }
0xc: {  	s14 =	sand.u32 $0xF800, s2;
	s15 =	sand.u32 $0x380, s2  }
0xd: {  	s14 =	sor.u32 s15, s14  }
0xe: {  	[tilespmem:s14+$0x1D70] =	vst v0  }
0xf: {  	[tilespmem:s14+$0x1900] =	vst v0  }
0x10: {  	[tilespmem:s14+$0x1910] =	vst v0  }
0x11: {  	[tilespmem:s14+$0x1920] =	vst v0  }
0x12: {  	[tilespmem:s14+$0x1930] =	vst v0  }
0x13: {  	[tilespmem:s14+$0x1940] =	vst v0  }
0x14: {  	[tilespmem:s14+$0x1950] =	vst v0  }
0x15: {  	[tilespmem:s14+$0x1960] =	vst v0  }
0x16: {  	[tilespmem:s14+$0x1970] =	vst v0  }
0x17: {  	[tilespmem:s14+$0x1D00] =	vst v0  }
0x18: {  	[tilespmem:s14+$0x1D10] =	vst v0  }
0x19: {  	[tilespmem:s14+$0x1D20] =	vst v0  }
0x1a: {  	[tilespmem:s14+$0x1D30] =	vst v0  }
0x1b: {  	s16 =	simm.s32 $0x100;
	s15 =	simm.s32 $0x80;
	[tilespmem:s14+$0x1D40] =	vst v0  }
0x1c: {  	s17 =	sand.u32 $0xF800, s16;
	s16 =	simm.s32 $0x200;
	s18 =	sand.u32 $0x380, s15;
	[tilespmem:s14+$0x1D50] =	vst v0  }
.LBB2_2:
0x1d: {  	p0 =	sne.s32 s16, $0xC700;
	[tilespmem:s14+$0x1D60] =	vst v0;
	s14 =	sor.u32 s18, s17  }
0x1e: {  	[tilespmem:s14+$0x1D70] =	vst v0  }
0x1f: {  	[tilespmem:s14+$0x1900] =	vst v0  }
0x20: {  	[tilespmem:s14+$0x1910] =	vst v0  }
0x21: {  	[tilespmem:s14+$0x1920] =	vst v0  }
0x22: {  	[tilespmem:s14+$0x1930] =	vst v0  }
0x23: {  	[tilespmem:s14+$0x1940] =	vst v0  }
0x24: {  	[tilespmem:s14+$0x1950] =	vst v0  }
0x25: {  	[tilespmem:s14+$0x1960] =	vst v0  }
0x26: {  	[tilespmem:s14+$0x1970] =	vst v0  }
0x27: {  	[tilespmem:s14+$0x1D00] =	vst v0  }
.Ltmp0:
0x28: {  	[tilespmem:s14+$0x1D10] =	vst v0;
	(pc) =	sbr.rel @p0 .LBB2_2-.Ltmp0, $4  }
0x29: {  	[tilespmem:s14+$0x1D20] =	vst v0  }
0x2a: {  	[tilespmem:s14+$0x1D30] =	vst v0  }
0x2b: {  	s15 =	sadd.s32 $0x80, s15;
	[tilespmem:s14+$0x1D40] =	vst v0  }
0x2c: {  	s17 =	sand.u32 $0xF800, s16;
	s16 =	sadd.s32 $0x100, s16;
	s18 =	sand.u32 $0x380, s15;
	[tilespmem:s14+$0x1D50] =	vst v0  }
0x2d: {  	s15 =	sor.u32 s18, s17;
	[tilespmem:s14+$0x1D60] =	vst v0  }
0x2e: {  	[tilespmem:s15+$0x1D70] =	vst v0  }
0x2f: {  	[tilespmem:s15+$0x1900] =	vst v0  }
0x30: {  	[tilespmem:s15+$0x1910] =	vst v0  }
0x31: {  	[tilespmem:s15+$0x1920] =	vst v0  }
0x32: {  	[tilespmem:s15+$0x1930] =	vst v0  }
0x33: {  	[tilespmem:s15+$0x1940] =	vst v0  }
0x34: {  	[tilespmem:s15+$0x1950] =	vst v0  }
0x35: {  	[tilespmem:s15+$0x1960] =	vst v0  }
0x36: {  	[tilespmem:s15+$0x1970] =	vst v0  }
0x37: {  	[tilespmem:s15+$0x1D00] =	vst v0  }
0x38: {  	[tilespmem:s15+$0x1D10] =	vst v0  }
0x39: {  	[tilespmem:s15+$0x1D20] =	vst v0  }
0x3a: {  	[tilespmem:s15+$0x1D30] =	vst v0  }
0x3b: {  	[tilespmem:s15+$0x1D40] =	vst v0  }
0x3c: {  	p0 =	por $0x0, $0x0;
	s14 =	simm.s32 $0x1;
	[tilespmem:s15+$0x1D50] =	vst v0  }
0x3d: {  	[tilespmem:s15+$0x1D60] =	vst v0;
	s14 =	simm.s32 @!p0 $0x0  }
0x3e: {  	s28 =	simm.s32 $0x0;
	_ =	swait.ge [sflag:s6], $0x1900;
	s14 =	sshll.u32 s14, $0x6  }
0x3f: {  	s16 =	sand.u32 $0x40, s28;
	[sflag:s6] =	ssyncset.done $0x0;
	s14 =	sadd.s32 $0x0, s14  }
0x40: {  	s15 =	sand.u32 $0x1F00, s28;
	[sflag:s6] =	ssyncadd.s32 $0xFFFFE700;
	s29 =	sor.u32 $0x80, s14  }
0x41: {  	s15 =	sor.u32 s16, s15;
	v5 =	vld [tilespmem:s29+$0x0]  }
0x42: {  	v6 =	vld [tilespmem:s15+$0x0];
	_ =	sdelay $0x3  }
0x43: {  	v5 =	vshll.u32 v5, $0x8  }
0x44: {  	v5 =	vor.u32 v6, v5  }
0x45: {  	v6 =	vxor.u32 $0x80000000, v5  }
0x46: {  	(xrf1) =	vsort.ascd.msk.u32 $0xffff, v6, v5;
	_ =	sdelay $0xd  }
0x47: {  	v5, _, _ =	vpop (xrf1)  }
0x48: {  	v6 =	vxor.u32 $0x80000000, v5  }
0x49: {  	[tilespmem:$0xE100] =	vst v6  }
0x4a: {  	v7 =	vld.idx.msk [tilespmem:v2+s7+$0x0], $0xffff;
	_ =	sdelay $0x4  }
0x4b: {  	vm1 =	veq.s32 v6, v7;
	v7 =	vld.idx.msk [tilespmem:v1+s7+$0x0], $0xffff  }
0x4c: {  	v8 =	vsel vm1, $0x80000000, v3  }
0x4d: {  	(xrf0) =	vmax.scan.msk.u32 $0xffff, v8  }
0x4e: {  	v9 =	vshrl.u32 v5, $0x1  }
0x4f: {  	v10 =	vand.u32 $0xFFFFF800, v6;
	v8 =	vshll.u32 v5, $0x3;
	v5 =	vand.u32 $0x7F, v5  }
0x50: {  	v8 =	vand.u32 $0x400, v8;
	vm1 =	vne.s32 v6, v7;
	v6 =	vand.u32 $0x380, v9  }
0x51: {  	v5 =	vor.u32 v5, v8  }
0x52: {  	v5 =	vor.u32 v10, v5;
	vm1 =	vmor vm1, vm0  }
0x53: {  	v5 =	vor.u32 v6, v5;
	v6, _, _ =	vpop (xrf0)  }
0x54: {  	v6 =	vxor.u32 $0x80000000, v6  }
0x55: {  	v6 =	vsub.s32 v4, v6  }
0x56: {  	v6 =	vcvt.s32.f32 v6  }
0x57: {  	s30 =	sadd.s32 $0x10, s14  }
0x58: {  	s16 =	sor.u32 $0x80, s30;
	[tilespmem:v5+s8+$0x0] =	vst.idx.add.f32.msk vm1, v6  }
0x59: {  	v5 =	vld [tilespmem:s16+$0x0]  }
0x5a: {  	v6 =	vld [tilespmem:s15+$0x10];
	_ =	sdelay $0x3  }
0x5b: {  	v5 =	vshll.u32 v5, $0x8  }
0x5c: {  	v5 =	vor.u32 v6, v5  }
0x5d: {  	v6 =	vxor.u32 $0x80000000, v5  }
0x5e: {  	(xrf1) =	vsort.ascd.msk.u32 $0xffff, v6, v5;
	_ =	sdelay $0xd  }
0x5f: {  	v5, _, _ =	vpop (xrf1)  }
0x60: {  	v6 =	vxor.u32 $0x80000000, v5  }
0x61: {  	[tilespmem:$0xE180] =	vst v6  }
0x62: {  	v7 =	vld.idx.msk [tilespmem:v2+s9+$0x0], $0xffff;
	_ =	sdelay $0x4  }
0x63: {  	vm1 =	veq.s32 v6, v7;
	v7 =	vld.idx.msk [tilespmem:v1+s9+$0x0], $0xffff  }
0x64: {  	v8 =	vsel vm1, $0x80000000, v3  }
0x65: {  	(xrf0) =	vmax.scan.msk.u32 $0xffff, v8  }
0x66: {  	v57 =	vshrl.u32 v5, $0x1  }
0x67: {  	v58 =	vand.u32 $0xFFFFF800, v6;
	v8 =	vshll.u32 v5, $0x3;
	v5 =	vand.u32 $0x7F, v5  }
0x68: {  	v8 =	vand.u32 $0x400, v8;
	vm1 =	vne.s32 v6, v7;
	v6 =	vand.u32 $0x380, v57  }
0x69: {  	v5 =	vor.u32 v5, v8  }
0x6a: {  	v5 =	vor.u32 v58, v5;
	vm1 =	vmor vm1, vm0  }
0x6b: {  	v5 =	vor.u32 v6, v5;
	v6, _, _ =	vpop (xrf0)  }
0x6c: {  	v6 =	vxor.u32 $0x80000000, v6  }
0x6d: {  	v6 =	vsub.s32 v4, v6  }
0x6e: {  	v6 =	vcvt.s32.f32 v6  }
0x6f: {  	s31 =	sadd.s32 $0x20, s14  }
0x70: {  	s16 =	sor.u32 $0x80, s31;
	[tilespmem:v5+s8+$0x0] =	vst.idx.add.f32.msk vm1, v6  }
0x71: {  	v5 =	vld [tilespmem:s16+$0x0]  }
0x72: {  	v6 =	vld [tilespmem:s15+$0x20];
	_ =	sdelay $0x3  }
0x73: {  	v5 =	vshll.u32 v5, $0x8  }
0x74: {  	v5 =	vor.u32 v6, v5  }
0x75: {  	v6 =	vxor.u32 $0x80000000, v5  }
0x76: {  	(xrf1) =	vsort.ascd.msk.u32 $0xffff, v6, v5;
	_ =	sdelay $0xd  }
0x77: {  	v5, _, _ =	vpop (xrf1)  }
0x78: {  	v6 =	vxor.u32 $0x80000000, v5  }
0x79: {  	[tilespmem:$0xE200] =	vst v6  }
0x7a: {  	v7 =	vld.idx.msk [tilespmem:v2+s10+$0x0], $0xffff;
	_ =	sdelay $0x4  }
0x7b: {  	vm1 =	veq.s32 v6, v7;
	v7 =	vld.idx.msk [tilespmem:v1+s10+$0x0], $0xffff  }
0x7c: {  	v8 =	vsel vm1, $0x80000000, v3  }
0x7d: {  	(xrf0) =	vmax.scan.msk.u32 $0xffff, v8  }
0x7e: {  	v59 =	vshrl.u32 v5, $0x1  }
0x7f: {  	v60 =	vand.u32 $0xFFFFF800, v6;
	v8 =	vshll.u32 v5, $0x3;
	v5 =	vand.u32 $0x7F, v5  }
0x80: {  	v8 =	vand.u32 $0x400, v8;
	vm1 =	vne.s32 v6, v7;
	v6 =	vand.u32 $0x380, v59  }
0x81: {  	v5 =	vor.u32 v5, v8  }
0x82: {  	v5 =	vor.u32 v60, v5;
	vm1 =	vmor vm1, vm0  }
0x83: {  	v5 =	vor.u32 v6, v5;
	v6, _, _ =	vpop (xrf0)  }
0x84: {  	v6 =	vxor.u32 $0x80000000, v6  }
0x85: {  	v6 =	vsub.s32 v4, v6  }
0x86: {  	v6 =	vcvt.s32.f32 v6  }
0x87: {  	s14 =	sadd.s32 $0x30, s14  }
0x88: {  	s14 =	sor.u32 $0x80, s14;
	[tilespmem:v5+s8+$0x0] =	vst.idx.add.f32.msk vm1, v6  }
0x89: {  	v5 =	vld [tilespmem:s14+$0x0]  }
0x8a: {  	v6 =	vld [tilespmem:s15+$0x30];
	_ =	sdelay $0x3  }
0x8b: {  	v5 =	vshll.u32 v5, $0x8  }
0x8c: {  	v5 =	vor.u32 v6, v5  }
0x8d: {  	v6 =	vxor.u32 $0x80000000, v5  }
0x8e: {  	(xrf1) =	vsort.ascd.msk.u32 $0xffff, v6, v5;
	_ =	sdelay $0xd  }
0x8f: {  	v5, _, _ =	vpop (xrf1)  }
0x90: {  	v6 =	vxor.u32 $0x80000000, v5  }
0x91: {  	[tilespmem:$0xE280] =	vst v6  }
0x92: {  	v7 =	vld.idx.msk [tilespmem:v2+s11+$0x0], $0xffff;
	_ =	sdelay $0x4  }
0x93: {  	vm1 =	veq.s32 v6, v7  }
0x94: {  	v7 =	vsel vm1, $0x80000000, v3  }
0x95: {  	(xrf0) =	vmax.scan.msk.u32 $0xffff, v7;
	v7 =	vld.idx.msk [tilespmem:v1+s11+$0x0], $0xffff;
	_ =	sdelay $0x2  }
0x96: {  	v8 =	vshll.u32 v5, $0x3  }
0x97: {  	v61 =	vand.u32 $0x7F, v5;
	v5 =	vshrl.u32 v5, $0x1;
	v8 =	vand.u32 $0x400, v8  }
0x98: {  	v62 =	vand.u32 $0xFFFFF800, v6;
	v8 =	vor.u32 v61, v8;
	vm1 =	vne.s32 v6, v7  }
0x99: {  	v5 =	vand.u32 $0x380, v5;
	v8 =	vor.u32 v62, v8;
	vm1 =	vmor vm1, vm0  }
0x9a: {  	p0 =	por !p0, !p0;
	s14 =	simm.s32 $0x1;
	v5 =	vor.u32 v5, v8;
	v63, _, _ =	vpop (xrf0)  }
0x9b: {  	s14 =	simm.s32 @!p0 $0x0;
	v9 =	vxor.u32 $0x80000000, v63  }
0x9c: {  	s17 =	simm.s32 $0x80;
	s14 =	sshll.u32 s14, $0x6;
	v6 =	vsub.s32 v4, v9  }
0x9d: {  	s16 =	simm.s32 $0x80;
	s15 =	simm.s32 $0x40;
	s14 =	sadd.s32 $0x80, s14;
	v6 =	vcvt.s32.f32 v6  }
.LBB2_4:
0x9e: {  	s18 =	sand.u32 $0x40, s15  }
0x9f: {  	s19 =	sand.u32 $0x1F00, s17;
	s20 =	sor.u32 $0x80, s14;
	[tilespmem:v5+s8+$0x0] =	vst.idx.add.f32.msk vm1, v6;
	s15 =	smov.u32 s16  }
0xa0: {  	p1 =	sne.s32 s16, $0xC40;
	s16 =	sadd.s32 $0x40, s16;
	s18 =	sor.u32 s18, s19;
	v5 =	vld [tilespmem:s20+$0x0]  }
0xa1: {  	v6 =	vld [tilespmem:s18+$0x0];
	_ =	sdelay $0x3  }
0xa2: {  	v5 =	vshll.u32 v5, $0x8  }
0xa3: {  	v5 =	vor.u32 v6, v5  }
0xa4: {  	v6 =	vxor.u32 $0x80000000, v5  }
0xa5: {  	(xrf1) =	vsort.ascd.msk.u32 $0xffff, v6, v5;
	_ =	sdelay $0xd  }
0xa6: {  	v5, _, _ =	vpop (xrf1)  }
0xa7: {  	v6 =	vxor.u32 $0x80000000, v5;
	v7 =	vshll.u32 v5, $0x3;
	v8 =	vshrl.u32 v5, $0x1  }
0xa8: {  	v5 =	vand.u32 $0x7F, v5;
	[tilespmem:$0xE100] =	vst v6;
	v7 =	vand.u32 $0x400, v7  }
0xa9: {  	v10 =	vand.u32 $0xFFFFF800, v6;
	v9 =	vld.idx.msk [tilespmem:v2+s7+$0x0], $0xffff;
	v5 =	vor.u32 v5, v7  }
0xaa: {  	v5 =	vor.u32 v10, v5;
	_ =	sdelay $0x4  }
0xab: {  	vm1 =	veq.s32 v6, v9;
	v7 =	vld.idx.msk [tilespmem:v1+s7+$0x0], $0xffff  }
0xac: {  	v9 =	vsel vm1, $0x80000000, v3  }
0xad: {  	(xrf0) =	vmax.scan.msk.u32 $0xffff, v9;
	_ =	sdelay $0x3  }
0xae: {  	vm1 =	vne.s32 v6, v7  }
0xaf: {  	v7 =	vand.u32 $0x380, v8;
	vm1 =	vmor vm1, vm0  }
0xb0: {  	v5 =	vor.u32 v7, v5;
	v6, _, _ =	vpop (xrf0)  }
0xb1: {  	v6 =	vxor.u32 $0x80000000, v6  }
0xb2: {  	v6 =	vsub.s32 v4, v6  }
0xb3: {  	v6 =	vcvt.s32.f32 v6  }
0xb4: {  	s19 =	sadd.s32 $0x10, s14  }
0xb5: {  	s19 =	sor.u32 $0x80, s19;
	[tilespmem:v5+s8+$0x0] =	vst.idx.add.f32.msk vm1, v6  }
0xb6: {  	v5 =	vld [tilespmem:s19+$0x0]  }
0xb7: {  	v6 =	vld [tilespmem:s18+$0x10];
	_ =	sdelay $0x3  }
0xb8: {  	v5 =	vshll.u32 v5, $0x8  }
0xb9: {  	v5 =	vor.u32 v6, v5  }
0xba: {  	v6 =	vxor.u32 $0x80000000, v5  }
0xbb: {  	(xrf1) =	vsort.ascd.msk.u32 $0xffff, v6, v5;
	_ =	sdelay $0xd  }
0xbc: {  	v5, _, _ =	vpop (xrf1)  }
0xbd: {  	v6 =	vxor.u32 $0x80000000, v5;
	v7 =	vshll.u32 v5, $0x3;
	v8 =	vshrl.u32 v5, $0x1  }
0xbe: {  	v5 =	vand.u32 $0x7F, v5;
	[tilespmem:$0xE180] =	vst v6;
	v7 =	vand.u32 $0x400, v7  }
0xbf: {  	v10 =	vand.u32 $0xFFFFF800, v6;
	v9 =	vld.idx.msk [tilespmem:v2+s9+$0x0], $0xffff;
	v5 =	vor.u32 v5, v7  }
0xc0: {  	v5 =	vor.u32 v10, v5;
	_ =	sdelay $0x4  }
0xc1: {  	vm1 =	veq.s32 v6, v9;
	v7 =	vld.idx.msk [tilespmem:v1+s9+$0x0], $0xffff  }
0xc2: {  	v9 =	vsel vm1, $0x80000000, v3  }
0xc3: {  	(xrf0) =	vmax.scan.msk.u32 $0xffff, v9;
	_ =	sdelay $0x3  }
0xc4: {  	vm1 =	vne.s32 v6, v7  }
0xc5: {  	v7 =	vand.u32 $0x380, v8;
	vm1 =	vmor vm1, vm0  }
0xc6: {  	v5 =	vor.u32 v7, v5;
	v6, _, _ =	vpop (xrf0)  }
0xc7: {  	v6 =	vxor.u32 $0x80000000, v6  }
0xc8: {  	v6 =	vsub.s32 v4, v6  }
0xc9: {  	v6 =	vcvt.s32.f32 v6  }
0xca: {  	s19 =	sadd.s32 $0x20, s14  }
0xcb: {  	s19 =	sor.u32 $0x80, s19;
	[tilespmem:v5+s8+$0x0] =	vst.idx.add.f32.msk vm1, v6  }
0xcc: {  	v5 =	vld [tilespmem:s19+$0x0]  }
0xcd: {  	v6 =	vld [tilespmem:s18+$0x20];
	_ =	sdelay $0x3  }
0xce: {  	v5 =	vshll.u32 v5, $0x8  }
0xcf: {  	v5 =	vor.u32 v6, v5  }
0xd0: {  	v6 =	vxor.u32 $0x80000000, v5  }
0xd1: {  	(xrf1) =	vsort.ascd.msk.u32 $0xffff, v6, v5;
	_ =	sdelay $0xd  }
0xd2: {  	v5, _, _ =	vpop (xrf1)  }
0xd3: {  	v6 =	vxor.u32 $0x80000000, v5;
	v7 =	vshll.u32 v5, $0x3;
	v8 =	vshrl.u32 v5, $0x1  }
0xd4: {  	v5 =	vand.u32 $0x7F, v5;
	[tilespmem:$0xE200] =	vst v6;
	v7 =	vand.u32 $0x400, v7  }
0xd5: {  	v10 =	vand.u32 $0xFFFFF800, v6;
	v9 =	vld.idx.msk [tilespmem:v2+s10+$0x0], $0xffff;
	v5 =	vor.u32 v5, v7  }
0xd6: {  	v7 =	vld.idx.msk [tilespmem:v1+s10+$0x0], $0xffff;
	v5 =	vor.u32 v10, v5;
	_ =	sdelay $0x4  }
0xd7: {  	vm1 =	veq.s32 v6, v9  }
0xd8: {  	vm2 =	vne.s32 v6, v7;
	v6 =	vsel vm1, $0x80000000, v3  }
0xd9: {  	(xrf0) =	vmax.scan.msk.u32 $0xffff, v6;
	_ =	sdelay $0x4  }
0xda: {  	v7 =	vand.u32 $0x380, v8;
	vm1 =	vmor vm2, vm0  }
0xdb: {  	v5 =	vor.u32 v7, v5;
	v6, _, _ =	vpop (xrf0)  }
0xdc: {  	v6 =	vxor.u32 $0x80000000, v6  }
0xdd: {  	v6 =	vsub.s32 v4, v6  }
0xde: {  	v6 =	vcvt.s32.f32 v6  }
0xdf: {  	s14 =	sadd.s32 $0x30, s14  }
0xe0: {  	s14 =	sor.u32 $0x80, s14;
	[tilespmem:v5+s8+$0x0] =	vst.idx.add.f32.msk vm1, v6  }
0xe1: {  	v5 =	vld [tilespmem:s14+$0x0]  }
0xe2: {  	v6 =	vld [tilespmem:s18+$0x30];
	_ =	sdelay $0x3  }
0xe3: {  	v5 =	vshll.u32 v5, $0x8  }
0xe4: {  	v5 =	vor.u32 v6, v5  }
0xe5: {  	v6 =	vxor.u32 $0x80000000, v5  }
0xe6: {  	(xrf1) =	vsort.ascd.msk.u32 $0xffff, v6, v5;
	_ =	sdelay $0xd  }
0xe7: {  	v5, _, _ =	vpop (xrf1)  }
0xe8: {  	v6 =	vxor.u32 $0x80000000, v5;
	v7 =	vshll.u32 v5, $0x3;
	v8 =	vshrl.u32 v5, $0x1  }
0xe9: {  	v5 =	vand.u32 $0x7F, v5;
	[tilespmem:$0xE280] =	vst v6;
	v7 =	vand.u32 $0x400, v7  }
0xea: {  	v10 =	vand.u32 $0xFFFFF800, v6;
	v9 =	vld.idx.msk [tilespmem:v2+s11+$0x0], $0xffff;
	v5 =	vor.u32 v5, v7  }
0xeb: {  	v7 =	vld.idx.msk [tilespmem:v1+s11+$0x0], $0xffff;
	v5 =	vor.u32 v10, v5;
	_ =	sdelay $0x4  }
0xec: {  	vm1 =	veq.s32 v6, v9  }
0xed: {  	vm2 =	vne.s32 v6, v7;
	v6 =	vsel vm1, $0x80000000, v3  }
0xee: {  	(xrf0) =	vmax.scan.msk.u32 $0xffff, v6;
	_ =	sdelay $0x4  }
0xef: {  	v7 =	vand.u32 $0x380, v8;
	vm1 =	vmor vm2, vm0  }
.Ltmp1:
0xf0: {  	v5 =	vor.u32 v7, v5;
	v6, _, _ =	vpop (xrf0);
	(pc) =	sbr.rel @p1 .LBB2_4-.Ltmp1, $4  }
0xf1: {  	p0 =	por !p0, !p0;
	s14 =	simm.s32 $0x1;
	v6 =	vxor.u32 $0x80000000, v6  }
0xf2: {  	s14 =	simm.s32 @!p0 $0x0;
	v6 =	vsub.s32 v4, v6  }
0xf3: {  	s17 =	sadd.s32 $0x80, s17;
	s14 =	sshll.u32 s14, $0x6;
	v6 =	vcvt.s32.f32 v6  }
0xf4: {  	s14 =	sadd.s32 s14, s17  }
0xf5: {  	_ =	sdelay $0x4  }
0xf6: {  	s15 =	sand.u32 $0x40, s15;
	s16 =	sand.u32 $0x1F00, s17;
	s28 =	sor.u32 $0x80, s14;
	[tilespmem:v5+s8+$0x0] =	vst.idx.add.f32.msk vm1, v6  }
0xf7: {  	s15 =	sor.u32 s15, s16;
	v5 =	vld [tilespmem:s28+$0x0]  }
0xf8: {  	v6 =	vld [tilespmem:s15+$0x0];
	_ =	sdelay $0x3  }
0xf9: {  	v5 =	vshll.u32 v5, $0x8  }
0xfa: {  	v5 =	vor.u32 v6, v5  }
0xfb: {  	v6 =	vxor.u32 $0x80000000, v5  }
0xfc: {  	(xrf1) =	vsort.ascd.msk.u32 $0xffff, v6, v5;
	_ =	sdelay $0xd  }
0xfd: {  	v5, _, _ =	vpop (xrf1)  }
0xfe: {  	v6 =	vxor.u32 $0x80000000, v5  }
0xff: {  	[tilespmem:$0xE100] =	vst v6  }
0x100: {  	v7 =	vld.idx.msk [tilespmem:v2+s7+$0x0], $0xffff;
	_ =	sdelay $0x4  }
0x101: {  	vm1 =	veq.s32 v6, v7;
	v7 =	vld.idx.msk [tilespmem:v1+s7+$0x0], $0xffff  }
0x102: {  	v8 =	vsel vm1, $0x80000000, v3  }
0x103: {  	(xrf0) =	vmax.scan.msk.u32 $0xffff, v8  }
0x104: {  	v51 =	vshll.u32 v5, $0x3  }
0x105: {  	v9 =	vshrl.u32 v5, $0x1;
	v5 =	vand.u32 $0x7F, v5;
	v10 =	vand.u32 $0xFFFFF800, v6  }
0x106: {  	v8 =	vand.u32 $0x400, v51;
	vm1 =	vne.s32 v6, v7;
	v6 =	vand.u32 $0x380, v9  }
0x107: {  	v5 =	vor.u32 v5, v8  }
0x108: {  	v5 =	vor.u32 v10, v5;
	vm1 =	vmor vm1, vm0  }
0x109: {  	v5 =	vor.u32 v6, v5;
	v6, _, _ =	vpop (xrf0)  }
0x10a: {  	v6 =	vxor.u32 $0x80000000, v6  }
0x10b: {  	v6 =	vsub.s32 v4, v6  }
0x10c: {  	v6 =	vcvt.s32.f32 v6  }
0x10d: {  	s29 =	sadd.s32 $0x10, s14  }
0x10e: {  	s16 =	sor.u32 $0x80, s29;
	[tilespmem:v5+s8+$0x0] =	vst.idx.add.f32.msk vm1, v6  }
0x10f: {  	v5 =	vld [tilespmem:s16+$0x0]  }
0x110: {  	v6 =	vld [tilespmem:s15+$0x10];
	_ =	sdelay $0x3  }
0x111: {  	v5 =	vshll.u32 v5, $0x8  }
0x112: {  	v5 =	vor.u32 v6, v5  }
0x113: {  	v6 =	vxor.u32 $0x80000000, v5  }
0x114: {  	(xrf1) =	vsort.ascd.msk.u32 $0xffff, v6, v5;
	_ =	sdelay $0xd  }
0x115: {  	v5, _, _ =	vpop (xrf1)  }
0x116: {  	v6 =	vxor.u32 $0x80000000, v5  }
0x117: {  	[tilespmem:$0xE180] =	vst v6  }
0x118: {  	v7 =	vld.idx.msk [tilespmem:v2+s9+$0x0], $0xffff;
	_ =	sdelay $0x4  }
0x119: {  	vm1 =	veq.s32 v6, v7;
	v7 =	vld.idx.msk [tilespmem:v1+s9+$0x0], $0xffff  }
0x11a: {  	v52 =	vsel vm1, $0x80000000, v3  }
0x11b: {  	(xrf0) =	vmax.scan.msk.u32 $0xffff, v52  }
0x11c: {  	v53 =	vshll.u32 v5, $0x3  }
0x11d: {  	v54 =	vshrl.u32 v5, $0x1;
	v5 =	vand.u32 $0x7F, v5;
	v8 =	vand.u32 $0x400, v53  }
0x11e: {  	v55 =	vand.u32 $0xFFFFF800, v6;
	vm1 =	vne.s32 v6, v7;
	v6 =	vand.u32 $0x380, v54  }
0x11f: {  	v5 =	vor.u32 v5, v8  }
0x120: {  	v5 =	vor.u32 v55, v5;
	vm1 =	vmor vm1, vm0  }
0x121: {  	v5 =	vor.u32 v6, v5;
	v6, _, _ =	vpop (xrf0)  }
0x122: {  	v6 =	vxor.u32 $0x80000000, v6  }
0x123: {  	v6 =	vsub.s32 v4, v6  }
0x124: {  	v6 =	vcvt.s32.f32 v6  }
0x125: {  	s30 =	sadd.s32 $0x20, s14  }
0x126: {  	s16 =	sor.u32 $0x80, s30;
	[tilespmem:v5+s8+$0x0] =	vst.idx.add.f32.msk vm1, v6  }
0x127: {  	v5 =	vld [tilespmem:s16+$0x0]  }
0x128: {  	v6 =	vld [tilespmem:s15+$0x20];
	_ =	sdelay $0x3  }
0x129: {  	v5 =	vshll.u32 v5, $0x8  }
0x12a: {  	v5 =	vor.u32 v6, v5  }
0x12b: {  	v6 =	vxor.u32 $0x80000000, v5  }
0x12c: {  	(xrf1) =	vsort.ascd.msk.u32 $0xffff, v6, v5;
	_ =	sdelay $0xd  }
0x12d: {  	v5, _, _ =	vpop (xrf1)  }
0x12e: {  	v6 =	vxor.u32 $0x80000000, v5  }
0x12f: {  	[tilespmem:$0xE200] =	vst v6  }
0x130: {  	v7 =	vld.idx.msk [tilespmem:v2+s10+$0x0], $0xffff;
	_ =	sdelay $0x4  }
0x131: {  	vm1 =	veq.s32 v6, v7;
	v7 =	vld.idx.msk [tilespmem:v1+s10+$0x0], $0xffff  }
0x132: {  	v56 =	vsel vm1, $0x80000000, v3  }
0x133: {  	(xrf0) =	vmax.scan.msk.u32 $0xffff, v56  }
0x134: {  	v57 =	vshll.u32 v5, $0x3  }
0x135: {  	v58 =	vshrl.u32 v5, $0x1;
	v5 =	vand.u32 $0x7F, v5;
	v8 =	vand.u32 $0x400, v57  }
0x136: {  	v59 =	vand.u32 $0xFFFFF800, v6;
	vm1 =	vne.s32 v6, v7;
	v6 =	vand.u32 $0x380, v58  }
0x137: {  	v5 =	vor.u32 v5, v8  }
0x138: {  	v5 =	vor.u32 v59, v5;
	vm1 =	vmor vm1, vm0  }
0x139: {  	v5 =	vor.u32 v6, v5;
	v6, _, _ =	vpop (xrf0)  }
0x13a: {  	v6 =	vxor.u32 $0x80000000, v6  }
0x13b: {  	v6 =	vsub.s32 v4, v6  }
0x13c: {  	v6 =	vcvt.s32.f32 v6  }
0x13d: {  	s31 =	sadd.s32 $0x30, s14  }
0x13e: {  	s14 =	sor.u32 $0x80, s31;
	[tilespmem:v5+s8+$0x0] =	vst.idx.add.f32.msk vm1, v6  }
0x13f: {  	v5 =	vld [tilespmem:s14+$0x0]  }
0x140: {  	v6 =	vld [tilespmem:s15+$0x30];
	_ =	sdelay $0x3  }
0x141: {  	v5 =	vshll.u32 v5, $0x8  }
0x142: {  	v5 =	vor.u32 v6, v5  }
0x143: {  	v6 =	vxor.u32 $0x80000000, v5  }
0x144: {  	(xrf1) =	vsort.ascd.msk.u32 $0xffff, v6, v5;
	_ =	sdelay $0xd  }
0x145: {  	v5, _, _ =	vpop (xrf1)  }
0x146: {  	v6 =	vxor.u32 $0x80000000, v5  }
0x147: {  	[tilespmem:$0xE280] =	vst v6  }
0x148: {  	v7 =	vld.idx.msk [tilespmem:v2+s11+$0x0], $0xffff;
	_ =	sdelay $0x4  }
0x149: {  	vm1 =	veq.s32 v6, v7;
	v7 =	vld.idx.msk [tilespmem:v1+s11+$0x0], $0xffff  }
0x14a: {  	v60 =	vsel vm1, $0x80000000, v3  }
0x14b: {  	(xrf0) =	vmax.scan.msk.u32 $0xffff, v60  }
0x14c: {  	v61 =	vshll.u32 v5, $0x3  }
0x14d: {  	v62 =	vshrl.u32 v5, $0x1;
	v5 =	vand.u32 $0x7F, v5;
	v8 =	vand.u32 $0x400, v61  }
0x14e: {  	v63 =	vand.u32 $0xFFFFF800, v6;
	vm1 =	vne.s32 v6, v7;
	v6 =	vand.u32 $0x380, v62  }
0x14f: {  	v5 =	vor.u32 v5, v8  }
0x150: {  	v5 =	vor.u32 v63, v5;
	vm1 =	vmor vm1, vm0  }
0x151: {  	v5 =	vor.u32 v6, v5;
	v6, _, _ =	vpop (xrf0)  }
0x152: {  	v6 =	vxor.u32 $0x80000000, v6  }
0x153: {  	v6 =	vsub.s32 v4, v6  }
0x154: {  	s13 =	sadd.s32 $0x1, s13;
	v6 =	vcvt.s32.f32 v6  }
0x155: {  	p0 =	sne.s32 s13, s5  }
.Ltmp2:
0x156: {  	[tilespmem:v5+s8+$0x0] =	vst.idx.add.f32.msk vm1, v6;
	(pc) =	sbr.rel @p0 .LBB2_1-.Ltmp2, $4  }
0x157: {  	[hbm4b:s4+s2] =	stream.linear.scatter [tilespmem:s8], [sflag:$0x2], $0xC800, $0x38;
	[tilespmem:$0xE300] =	vst v63  }
0x158: {  	_ =	swait.ge [sflag:s12], $0xC800  }
0x159: {  	[sflag:s12] =	ssyncset.done $0x0  }
0x15a: {  	[sflag:s12] =	ssyncadd.s32 $0xFFFF3800  }
0x15b: {  	_ =	sfence.sel $0x180000  }
0x15c: {  	[bflag:$0x0] =	sbarrier.arrive $0xFFFF  }
0x15d: {  	p0 =	sne.s32 s0, $0x0;
	_ =	strace $0x90000047  }
0x15e: {  	s0 =	sadd.s32 @!p0 $0x100000, s1;
	[bflag:$0x2] =	sbarrier.arrive $0xFFFF  }
0x15f: {  	[sflag:s0] =	ssyncadd.tile.s32 @!p0 $0x1;
	_ =	shalt  }
.Lfunc_end2:
_tile_overlayer_lowered:
.L_overlay_start_2:
0x160: {  	(tag) =	ssettag $0x2  }
0x161: {  	s0 =	rddreg [dreg:$0x0];
	s2 =	stileid.u32  }
0x162: {  	s1 =	rddreg [dreg:$0x1];
	p0 =	sne.s32 s2, $0x0  }
0x163: {  	s3 =	rddreg [dreg:$0x2];
	[bflag:$0x3] =	sbarrier.arrive $0xFFFF;
	s2 =	simm.s32 @!p0 $0x1C02  }
0x164: {  	[timem:s3], [sflag:s2] =	dma.local @!p0 [hbm:s0], s1  }
0x165: {  	s0 =	simm.s32 @!p0 $0x2  }
0x166: {  	_ =	swait.ge @!p0 [sflag:s0], s1  }
0x167: {  	s1 =	ssub.s32 @!p0 $0x0, s1;
	[sflag:s0] =	ssyncset.done @!p0 $0x0  }
0x168: {  	[sflag:s0] =	ssyncadd.s32 @!p0 s1  }
0x169: {  	[bflag:$0x3] =	sbarrier.arrive $0xFFFF  }
0x16a: {  	_ =	shalt  }

</sc_bundles>
